<compile_context>
chip_gen: v7x
topology: tpu7x:2x2x1
jax: 0.10.2.dev20260603
libtpu: 0.0.44.dev20260713+nightly
codegen_flags: <defaults>
</compile_context>

<pallas_src>
import functools

import jax
import jax.numpy as jnp
from jax.experimental import pallas as pl
from jax.experimental.pallas import tpu as pltpu

_N = 4096
_D = 128
_K = 3
_BLK = 256
_GRID = _N // _BLK
_SUB = 32
_NCHUNK = _N // 128
_HI0 = 20
_LO1 = 12
_LN2 = 0.6931471805599453
_FILL = 1.0e7
_BIG = 3.0e7


def _digamma(x):
    s = (1.0 / x + 1.0 / (x + 1.0) + 1.0 / (x + 2.0)
         + 1.0 / (x + 3.0) + 1.0 / (x + 4.0) + 1.0 / (x + 5.0))
    z = x + 6.0
    zi = 1.0 / z
    zi2 = zi * zi
    psi_z = jnp.log(z) - 0.5 * zi - zi2 * (
        1.0 / 12.0 - zi2 * (1.0 / 120.0 - zi2 * (1.0 / 252.0)))
    return psi_z - s


def _insert(carry, v):
    r1, r2, r3, r4 = carry
    n1 = jnp.minimum(r1, v)
    t1 = jnp.maximum(r1, v)
    n2 = jnp.minimum(r2, t1)
    t2 = jnp.maximum(r2, t1)
    n3 = jnp.minimum(r3, t2)
    t3 = jnp.maximum(r3, t2)
    n4 = jnp.minimum(r4, t3)
    return (n1, n2, n3, n4)


def _lane_init():
    return tuple(jnp.full((_SUB, 128), _BIG, dtype=jnp.float32)
                 for _ in range(4))


def _anchor_of_candidates(cand):
    work = cand
    remaining = jnp.full((_SUB, 1), _K + 1, dtype=jnp.int32)
    anchor = jnp.zeros((_SUB, 1), dtype=jnp.float32)
    for _ in range(_K + 1):
        m = jnp.min(work, axis=1, keepdims=True)
        hit = work == m
        c = jnp.sum(hit.astype(jnp.int32), axis=1, keepdims=True)
        anchor = jnp.where(remaining > 0, m, anchor)
        remaining = remaining - c
        work = jnp.where(hit, _BIG, work)
    return anchor


def _lane_iota(c):
    return c * 128 + jax.lax.broadcasted_iota(jnp.int32, (_SUB, 128), 1)


def _mi_kernel(n0_ref, x_ref, o_ref, xn_ref, d_ref, an_ref):
    i = pl.program_id(0)
    n0 = n0_ref[0]

    @pl.when(i == 0)
    def _():
        x_full = x_ref[...]
        nrm = jnp.maximum(jnp.sqrt(jnp.sum(x_full * x_full, axis=1,
                                           keepdims=True)), 1e-8)
        xn_ref[...] = x_full / nrm

    xn_full = xn_ref[...]
    xn_rows = xn_ref[pl.ds(i * _BLK, _BLK), :]

    sim = jax.lax.dot_general(xn_rows, xn_full,
                              (((1,), (1,)), ((), ())),
                              preferred_element_type=jnp.float32)
    d_ref[...] = 1.0 - sim
    sub = d_ref[:, pl.ds(i * _BLK, _BLK)]
    lr = jax.lax.broadcasted_iota(jnp.int32, (_BLK, _BLK), 0)
    lc = jax.lax.broadcasted_iota(jnp.int32, (_BLK, _BLK), 1)
    d_ref[:, pl.ds(i * _BLK, _BLK)] = jnp.where(lr == lc, 0.0, sub)

    in_margin = jnp.logical_and(n0 >= _LO1 * 128, n0 <= _HI0 * 128)

    def subtile(rt, _):
        base = i * _BLK + rt * _SUB
        rows = pl.ds(rt * _SUB, _SUB)
        u0 = jnp.logical_and(base + _SUB <= n0, in_margin)
        u1 = jnp.logical_and(base >= n0, in_margin)

        @pl.when(u0)
        def _():
            carry = jax.lax.fori_loop(
                0, _LO1,
                lambda c, cr: _insert(
                    cr, d_ref[rows, pl.ds(c * 128, 128)]),
                _lane_init(), unroll=True)
            for c in range(_LO1, _HI0):
                v = jnp.where(_lane_iota(c) < n0,
                              d_ref[rows, pl.ds(c * 128, 128)], _FILL)
                carry = _insert(carry, v)
            an_ref[rows, :] = _anchor_of_candidates(
                jnp.concatenate(carry, axis=1))

        @pl.when(u1)
        def _():
            carry = jax.lax.fori_loop(
                _HI0, _NCHUNK,
                lambda c, cr: _insert(
                    cr, d_ref[rows, pl.ds(c * 128, 128)]),
                _lane_init(), unroll=True)
            for c in range(_LO1, _HI0):
                v = jnp.where(_lane_iota(c) >= n0,
                              d_ref[rows, pl.ds(c * 128, 128)], _FILL)
                carry = _insert(carry, v)
            an_ref[rows, :] = _anchor_of_candidates(
                jnp.concatenate(carry, axis=1))

        @pl.when(jnp.logical_not(jnp.logical_or(u0, u1)))
        def _():
            rowb = (base + jax.lax.broadcasted_iota(
                jnp.int32, (_SUB, 1), 0)) < n0

            def body(c, cr):
                colb = _lane_iota(c) < n0
                v = jnp.where(rowb == colb,
                              d_ref[rows, pl.ds(c * 128, 128)], _FILL)
                return _insert(cr, v)

            carry = jax.lax.fori_loop(0, _NCHUNK, body, _lane_init(),
                                      unroll=True)
            an_ref[rows, :] = _anchor_of_candidates(
                jnp.concatenate(carry, axis=1))

        return 0

    jax.lax.fori_loop(0, _BLK // _SUB, subtile, 0)

    anchor = an_ref[...]

    dists = d_ref[...]
    cnt = jnp.sum(jnp.where(dists <= anchor, 1.0, 0.0), axis=1,
                  keepdims=True) - 1.0
    part = jnp.sum(_digamma(cnt), keepdims=True)

    @pl.when(i == 0)
    def _():
        o_ref[...] = jnp.zeros_like(o_ref)

    o_ref[...] += part

    @pl.when(i == _GRID - 1)
    def _():
        acc = o_ref[...]
        one = jnp.ones((1, 1), jnp.float32)
        n = jnp.float32(_N)
        nf0 = one * n0.astype(jnp.float32)
        nf1 = n - nf0
        avg_nx = (nf0 / n) * _digamma(nf0) + (nf1 / n) * _digamma(nf1)
        mi = _digamma(one * n) - avg_nx + _digamma(one * _K) - acc / n
        o_ref[...] = mi / _LN2


@jax.jit
def kernel(X, y):
    perm = jnp.argsort(y)
    Xp = jnp.take(X, perm, axis=0)
    n0 = (_N - jnp.sum(y)).astype(jnp.int32).reshape(1)
    out = pl.pallas_call(
        _mi_kernel,
        grid_spec=pltpu.PrefetchScalarGridSpec(
            num_scalar_prefetch=1,
            grid=(_GRID,),
            in_specs=[
                pl.BlockSpec((_N, _D), lambda i, n0: (0, 0)),
            ],
            out_specs=pl.BlockSpec((1, 1), lambda i, n0: (0, 0)),
            scratch_shapes=[pltpu.VMEM((_N, _D), jnp.float32),
                            pltpu.VMEM((_BLK, _N), jnp.float32),
                            pltpu.VMEM((_BLK, 1), jnp.float32)],
        ),
        out_shape=jax.ShapeDtypeStruct((1, 1), jnp.float32),
    )(n0, Xp)
    return out[0, 0]

# --- scband reference (transcript-rebuilt; emitter-appended) ---
"""Pipeline reference for scband-cluster-mi-61168924230189 (READ-ONLY COPY).

The authoritative reference and input builder live on the scoring server;
editing this copy changes nothing except your own understanding.
"""

import jax, jax.numpy as jnp
import numpy as np
from jax.scipy.special import digamma

N_SAMPLES = 4096
D_FEAT = 128
N_CLASSES = 2
K = 3


def setup_inputs(seed: int = 0) -> dict:
    key = jax.random.key(seed)
    kx, ky = jax.random.split(key)
    X = jax.random.normal(kx, (N_SAMPLES, D_FEAT), dtype=jnp.float32)
    y = jax.random.randint(ky, (N_SAMPLES,), 0, N_CLASSES, dtype=jnp.int32)
    return {"X": X, "y": y}


def _pairwise_cosine_dists(X):
    # Faithful to torch: 1 - cosine_similarity for all pairs; diagonal left at 0
    # (the torch roll-loop never writes the diagonal of the zero-initialized matrix).
    norms = jnp.clip(jnp.linalg.norm(X, axis=1, keepdims=True), 1e-8)
    xn = X / norms
    dists = 1.0 - xn @ xn.T
    n = X.shape[0]
    dists = dists.at[jnp.arange(n), jnp.arange(n)].set(0.0)
    return dists


def reference(X, y):
    N = X.shape[0]
    N_digamma = digamma(jnp.asarray(N, dtype=jnp.float32))
    # class counts N_x and their weighted digamma average
    N_x = jnp.bincount(y, length=N_CLASSES).astype(jnp.float32)
    N_x_w = N_x / N
    avg_N_x = jnp.sum(N_x_w * digamma(N_x))
    # full pairwise cosine distance matrix
    dists_matrix = _pairwise_cosine_dists(X)
    # same-class mask: y_mat[i, j] = y[i], compared against y[j]
    y_same_class = y[:, None] == y[None, :]
    dists_same_class = jnp.where(y_same_class, dists_matrix, 1.0e7)
    # k+1 smallest same-class distances per row; anchor = (k+1)-th smallest
    neg_top, _ = jax.lax.top_k(-dists_same_class, K + 1)
    anchor_dists = -neg_top[:, -1]
    # m_i: number of points (any class) within anchor distance, excluding self
    m_i = jnp.sum(dists_matrix <= anchor_dists[:, None], axis=1) - 1
    m_i_digamma = digamma(m_i.astype(jnp.float32))
    avg_m_i = jnp.mean(m_i_digamma)
    k_digamma = digamma(jnp.asarray(K, dtype=jnp.float32))
    mutual_information = N_digamma - avg_N_x + k_digamma - avg_m_i
    return mutual_information / jnp.log(jnp.asarray(2.0, dtype=jnp.float32))

if __name__ == "__main__":
    import jax
    _d = setup_inputs()
    print(jax.jit(kernel)(*tuple(_d.values())))

</pallas_src>

<mosaic_0001>
module attributes {stable_mosaic.version = 14 : i64} {
  func.func @_mi_kernel(%arg0: i32, %arg1: memref<1xi32, #tpu.memory_space<smem>>, %arg2: memref<4096x128xf32, #tpu.memory_space<vmem>>, %arg3: memref<1x1xf32, #tpu.memory_space<vmem>>, %arg4: memref<4096x128xf32, #tpu.memory_space<vmem>>, %arg5: memref<256x4096xf32, #tpu.memory_space<vmem>>, %arg6: memref<256x1xf32, #tpu.memory_space<vmem>>) attributes {dimension_semantics = [#tpu.dimension_semantics<arbitrary>], iteration_bounds = array<i64: 16>, scalar_prefetch = 1 : i64, scratch_operands = 3 : i64, tpu.core_type = #tpu.core_type<tc>, window_params = [{pipeline_mode = #tpu.pipeline_mode<synchronous>, transform_indices = @transform_0, window_bounds = array<i64: 4096, 128>}, {pipeline_mode = #tpu.pipeline_mode<synchronous>, transform_indices = @transform_1, window_bounds = array<i64: 1, 1>}]} {
    %get3A = arith.constant 0 : index
    %get3A_0 = memref.load %arg1[%get3A] : memref<1xi32, #tpu.memory_space<smem>>
    %eq3A = arith.constant 0 : i32
    %eq3A_1 = arith.cmpi eq, %arg0, %eq3A : i32
    %convert_element_type3A = arith.extui %eq3A_1 : i1 to i32
    %cond3A = arith.constant 0 : i32
    %cond3A_2 = arith.cmpi ne, %convert_element_type3A, %cond3A : i32
    scf.if %cond3A_2 {
      %get3A_134 = arith.constant 0 : index
      %get3A_135 = arith.constant 0 : index
      %get3A_136 = vector.load %arg2[%get3A_134, %get3A_135] : memref<4096x128xf32, #tpu.memory_space<vmem>>, vector<4096x128xf32>
      %mul3A_137 = arith.mulf %get3A_136, %get3A_136 : vector<4096x128xf32>
      %reduce_sum3A_138 = arith.constant dense<0.000000e+00> : vector<4096xf32>
      %reduce_sum3A_139 = vector.multi_reduction <add>, %mul3A_137, %reduce_sum3A_138 [1] : vector<4096x128xf32> to vector<4096xf32>
      %broadcast_in_dim3A_140 = vector.shape_cast %reduce_sum3A_139 : vector<4096xf32> to vector<4096x1xf32>
      %sqrt3A = math.sqrt %broadcast_in_dim3A_140 : vector<4096x1xf32>
      %max3A = arith.constant 9.99999993E-9 : f32
      %max3A_141 = vector.broadcast %max3A : f32 to vector<4096x1xf32>
      %max3A_142 = arith.maximumf %sqrt3A, %max3A_141 : vector<4096x1xf32>
      %div3A_143 = vector.broadcast %max3A_142 : vector<4096x1xf32> to vector<4096x128xf32>
      %div3A_144 = arith.divf %get3A_136, %div3A_143 : vector<4096x128xf32>
      %swap3A_145 = arith.constant 0 : index
      %swap3A_146 = arith.constant 0 : index
      %swap3A_147 = vector.load %arg4[%swap3A_145, %swap3A_146] : memref<4096x128xf32, #tpu.memory_space<vmem>>, vector<4096x128xf32>
      tpu.vector_store %arg4[%swap3A_145, %swap3A_146], %div3A_144 {strides = array<i32>} : memref<4096x128xf32, #tpu.memory_space<vmem>>, vector<4096x128xf32>,
    } else {
    }
    %get3A_3 = arith.constant 0 : index
    %get3A_4 = arith.constant 0 : index
    %get3A_5 = vector.load %arg4[%get3A_3, %get3A_4] : memref<4096x128xf32, #tpu.memory_space<vmem>>, vector<4096x128xf32>
    %mul3A = arith.constant 256 : i32
    %mul3A_6 = arith.muli %arg0, %mul3A : i32
    %get3A_7 = arith.index_cast %mul3A_6 : i32 to index
    %get3A_8 = arith.constant 0 : index
    %get3A_9 = vector.load %arg4[%get3A_7, %get3A_8] : memref<4096x128xf32, #tpu.memory_space<vmem>>, vector<256x128xf32>
    %dot_general3A = arith.constant dense<0.000000e+00> : vector<256x4096xf32>
    %dot_general3A_10 = tpu.matmul %get3A_9, %get3A_5, %dot_general3A {dimension_numbers = #tpu.dot_dimension_numbers<[1], [1], [0], [0], [0, 0, 1, 0], [], []>, transpose_lhs_hint = false} : vector<256x128xf32>, vector<4096x128xf32>, vector<256x4096xf32> -> vector<256x4096xf32>
    %sub3A = arith.constant 1.000000e+00 : f32
    %sub3A_11 = vector.broadcast %sub3A : f32 to vector<256x4096xf32>
    %sub3A_12 = arith.subf %sub3A_11, %dot_general3A_10 : vector<256x4096xf32>
    %swap3A = arith.constant 0 : index
    %swap3A_13 = arith.constant 0 : index
    %swap3A_14 = vector.load %arg5[%swap3A, %swap3A_13] : memref<256x4096xf32, #tpu.memory_space<vmem>>, vector<256x4096xf32>
    tpu.vector_store %arg5[%swap3A, %swap3A_13], %sub3A_12 {strides = array<i32>} : memref<256x4096xf32, #tpu.memory_space<vmem>>, vector<256x4096xf32>,
    %mul3A_15 = arith.constant 256 : i32
    %mul3A_16 = arith.muli %arg0, %mul3A_15 : i32
    %get3A_17 = arith.constant 0 : index
    %get3A_18 = arith.index_cast %mul3A_16 : i32 to index
    %get3A_19 = vector.load %arg5[%get3A_17, %get3A_18] : memref<256x4096xf32, #tpu.memory_space<vmem>>, vector<256x256xf32>
    %iota3A = tpu.iota {dimensions = array<i32: 0>} : vector<256x256xi32>
    %iota3A_20 = tpu.iota {dimensions = array<i32: 1>} : vector<256x256xi32>
    %eq3A_21 = arith.cmpi eq, %iota3A, %iota3A_20 : vector<256x256xi32>
    %jit3A = arith.constant 0.000000e+00 : f32
    %broadcast_in_dim3A = vector.broadcast %jit3A : f32 to vector<256x256xf32>
    %select_n3A = arith.select %eq3A_21, %broadcast_in_dim3A, %get3A_19 : vector<256x256xi1>, vector<256x256xf32>
    %mul3A_22 = arith.constant 256 : i32
    %mul3A_23 = arith.muli %arg0, %mul3A_22 : i32
    %swap3A_24 = arith.constant 0 : index
    %swap3A_25 = arith.index_cast %mul3A_23 : i32 to index
    %swap3A_26 = vector.load %arg5[%swap3A_24, %swap3A_25] : memref<256x4096xf32, #tpu.memory_space<vmem>>, vector<256x256xf32>
    tpu.vector_store %arg5[%swap3A_24, %swap3A_25], %select_n3A {strides = array<i32>} : memref<256x4096xf32, #tpu.memory_space<vmem>>, vector<256x256xf32>,
    %ge3A = arith.constant 1536 : i32
    %ge3A_27 = arith.cmpi sge, %get3A_0, %ge3A : i32
    %le3A = arith.constant 2560 : i32
    %le3A_28 = arith.cmpi sle, %get3A_0, %le3A : i32
    %and3A = arith.andi %ge3A_27, %le3A_28 : i1
    %scan3A = arith.constant 0 : i32
    %scan3A_29 = arith.constant 8 : i32
    %scan3A_30 = arith.addi %scan3A, %scan3A_29 : i32
    %scan3A_31 = arith.constant 1 : i32
    scf.for %scan3A_134 = %scan3A to %scan3A_30 step %scan3A_31  : i32 {
      %mul3A_135 = arith.constant 256 : i32
      %mul3A_136 = arith.muli %arg0, %mul3A_135 : i32
      %mul3A_137 = arith.constant 32 : i32
      %mul3A_138 = arith.muli %scan3A_134, %mul3A_137 : i32
      %add3A_139 = arith.addi %mul3A_136, %mul3A_138 : i32
      %mul3A_140 = arith.constant 32 : i32
      %mul3A_141 = arith.muli %scan3A_134, %mul3A_140 : i32
      %add3A_142 = arith.constant 32 : i32
      %add3A_143 = arith.addi %add3A_139, %add3A_142 : i32
      %le3A_144 = arith.cmpi sle, %add3A_143, %get3A_0 : i32
      %and3A_145 = arith.andi %le3A_144, %and3A : i1
      %ge3A_146 = arith.cmpi sge, %add3A_139, %get3A_0 : i32
      %and3A_147 = arith.andi %ge3A_146, %and3A : i1
      %convert_element_type3A_148 = arith.extui %and3A_145 : i1 to i32
      %cond3A_149 = arith.constant 0 : i32
      %cond3A_150 = arith.cmpi ne, %convert_element_type3A_148, %cond3A_149 : i32
      scf.if %cond3A_150 {
        %broadcast_in_dim3A_158 = arith.constant 3.000000e+07 : f32
        %broadcast_in_dim3A_159 = vector.broadcast %broadcast_in_dim3A_158 : f32 to vector<32x128xf32>
        %broadcast_in_dim3A_160 = arith.constant 3.000000e+07 : f32
        %broadcast_in_dim3A_161 = vector.broadcast %broadcast_in_dim3A_160 : f32 to vector<32x128xf32>
        %broadcast_in_dim3A_162 = arith.constant 3.000000e+07 : f32
        %broadcast_in_dim3A_163 = vector.broadcast %broadcast_in_dim3A_162 : f32 to vector<32x128xf32>
        %broadcast_in_dim3A_164 = arith.constant 3.000000e+07 : f32
        %broadcast_in_dim3A_165 = vector.broadcast %broadcast_in_dim3A_164 : f32 to vector<32x128xf32>
        %scan3A_166 = arith.constant 0 : i32
        %mul3A_167 = arith.constant 128 : i32
        %mul3A_168 = arith.muli %scan3A_166, %mul3A_167 : i32
        %get3A_169 = arith.index_cast %mul3A_141 : i32 to index
        %get3A_170 = arith.index_cast %mul3A_168 : i32 to index
        %get3A_171 = vector.load %arg5[%get3A_169, %get3A_170] : memref<256x4096xf32, #tpu.memory_space<vmem>>, vector<32x128xf32>
        %min3A = arith.minimumf %broadcast_in_dim3A_159, %get3A_171 : vector<32x128xf32>
        %max3A = arith.maximumf %broadcast_in_dim3A_159, %get3A_171 : vector<32x128xf32>
        %min3A_172 = arith.minimumf %broadcast_in_dim3A_161, %max3A : vector<32x128xf32>
        %max3A_173 = arith.maximumf %broadcast_in_dim3A_161, %max3A : vector<32x128xf32>
        %min3A_174 = arith.minimumf %broadcast_in_dim3A_163, %max3A_173 : vector<32x128xf32>
        %max3A_175 = arith.maximumf %broadcast_in_dim3A_163, %max3A_173 : vector<32x128xf32>
        %min3A_176 = arith.minimumf %broadcast_in_dim3A_165, %max3A_175 : vector<32x128xf32>
        %scan3A_177 = arith.constant 1 : i32
        %mul3A_178 = arith.constant 128 : i32
        %mul3A_179 = arith.muli %scan3A_177, %mul3A_178 : i32
        %get3A_180 = arith.index_cast %mul3A_141 : i32 to index
        %get3A_181 = arith.index_cast %mul3A_179 : i32 to index
        %get3A_182 = vector.load %arg5[%get3A_180, %get3A_181] : memref<256x4096xf32, #tpu.memory_space<vmem>>, vector<32x128xf32>
        %min3A_183 = arith.minimumf %min3A, %get3A_182 : vector<32x128xf32>
        %max3A_184 = arith.maximumf %min3A, %get3A_182 : vector<32x128xf32>
        %min3A_185 = arith.minimumf %min3A_172, %max3A_184 : vector<32x128xf32>
        %max3A_186 = arith.maximumf %min3A_172, %max3A_184 : vector<32x128xf32>
        %min3A_187 = arith.minimumf %min3A_174, %max3A_186 : vector<32x128xf32>
        %max3A_188 = arith.maximumf %min3A_174, %max3A_186 : vector<32x128xf32>
        %min3A_189 = arith.minimumf %min3A_176, %max3A_188 : vector<32x128xf32>
        %scan3A_190 = arith.constant 2 : i32
        %mul3A_191 = arith.constant 128 : i32
        %mul3A_192 = arith.muli %scan3A_190, %mul3A_191 : i32
        %get3A_193 = arith.index_cast %mul3A_141 : i32 to index
        %get3A_194 = arith.index_cast %mul3A_192 : i32 to index
        %get3A_195 = vector.load %arg5[%get3A_193, %get3A_194] : memref<256x4096xf32, #tpu.memory_space<vmem>>, vector<32x128xf32>
        %min3A_196 = arith.minimumf %min3A_183, %get3A_195 : vector<32x128xf32>
        %max3A_197 = arith.maximumf %min3A_183, %get3A_195 : vector<32x128xf32>
        %min3A_198 = arith.minimumf %min3A_185, %max3A_197 : vector<32x128xf32>
        %max3A_199 = arith.maximumf %min3A_185, %max3A_197 : vector<32x128xf32>
        %min3A_200 = arith.minimumf %min3A_187, %max3A_199 : vector<32x128xf32>
        %max3A_201 = arith.maximumf %min3A_187, %max3A_199 : vector<32x128xf32>
        %min3A_202 = arith.minimumf %min3A_189, %max3A_201 : vector<32x128xf32>
        %scan3A_203 = arith.constant 3 : i32
        %mul3A_204 = arith.constant 128 : i32
        %mul3A_205 = arith.muli %scan3A_203, %mul3A_204 : i32
        %get3A_206 = arith.index_cast %mul3A_141 : i32 to index
        %get3A_207 = arith.index_cast %mul3A_205 : i32 to index
        %get3A_208 = vector.load %arg5[%get3A_206, %get3A_207] : memref<256x4096xf32, #tpu.memory_space<vmem>>, vector<32x128xf32>
        %min3A_209 = arith.minimumf %min3A_196, %get3A_208 : vector<32x128xf32>
        %max3A_210 = arith.maximumf %min3A_196, %get3A_208 : vector<32x128xf32>
        %min3A_211 = arith.minimumf %min3A_198, %max3A_210 : vector<32x128xf32>
        %max3A_212 = arith.maximumf %min3A_198, %max3A_210 : vector<32x128xf32>
        %min3A_213 = arith.minimumf %min3A_200, %max3A_212 : vector<32x128xf32>
        %max3A_214 = arith.maximumf %min3A_200, %max3A_212 : vector<32x128xf32>
        %min3A_215 = arith.minimumf %min3A_202, %max3A_214 : vector<32x128xf32>
        %scan3A_216 = arith.constant 4 : i32
        %mul3A_217 = arith.constant 128 : i32
        %mul3A_218 = arith.muli %scan3A_216, %mul3A_217 : i32
        %get3A_219 = arith.index_cast %mul3A_141 : i32 to index
        %get3A_220 = arith.index_cast %mul3A_218 : i32 to index
        %get3A_221 = vector.load %arg5[%get3A_219, %get3A_220] : memref<256x4096xf32, #tpu.memory_space<vmem>>, vector<32x128xf32>
        %min3A_222 = arith.minimumf %min3A_209, %get3A_221 : vector<32x128xf32>
        %max3A_223 = arith.maximumf %min3A_209, %get3A_221 : vector<32x128xf32>
        %min3A_224 = arith.minimumf %min3A_211, %max3A_223 : vector<32x128xf32>
        %max3A_225 = arith.maximumf %min3A_211, %max3A_223 : vector<32x128xf32>
        %min3A_226 = arith.minimumf %min3A_213, %max3A_225 : vector<32x128xf32>
        %max3A_227 = arith.maximumf %min3A_213, %max3A_225 : vector<32x128xf32>
        %min3A_228 = arith.minimumf %min3A_215, %max3A_227 : vector<32x128xf32>
        %scan3A_229 = arith.constant 5 : i32
        %mul3A_230 = arith.constant 128 : i32
        %mul3A_231 = arith.muli %scan3A_229, %mul3A_230 : i32
        %get3A_232 = arith.index_cast %mul3A_141 : i32 to index
        %get3A_233 = arith.index_cast %mul3A_231 : i32 to index
        %get3A_234 = vector.load %arg5[%get3A_232, %get3A_233] : memref<256x4096xf32, #tpu.memory_space<vmem>>, vector<32x128xf32>
        %min3A_235 = arith.minimumf %min3A_222, %get3A_234 : vector<32x128xf32>
        %max3A_236 = arith.maximumf %min3A_222, %get3A_234 : vector<32x128xf32>
        %min3A_237 = arith.minimumf %min3A_224, %max3A_236 : vector<32x128xf32>
        %max3A_238 = arith.maximumf %min3A_224, %max3A_236 : vector<32x128xf32>
        %min3A_239 = arith.minimumf %min3A_226, %max3A_238 : vector<32x128xf32>
        %max3A_240 = arith.maximumf %min3A_226, %max3A_238 : vector<32x128xf32>
        %min3A_241 = arith.minimumf %min3A_228, %max3A_240 : vector<32x128xf32>
        %scan3A_242 = arith.constant 6 : i32
        %mul3A_243 = arith.constant 128 : i32
        %mul3A_244 = arith.muli %scan3A_242, %mul3A_243 : i32
        %get3A_245 = arith.index_cast %mul3A_141 : i32 to index
        %get3A_246 = arith.index_cast %mul3A_244 : i32 to index
        %get3A_247 = vector.load %arg5[%get3A_245, %get3A_246] : memref<256x4096xf32, #tpu.memory_space<vmem>>, vector<32x128xf32>
        %min3A_248 = arith.minimumf %min3A_235, %get3A_247 : vector<32x128xf32>
        %max3A_249 = arith.maximumf %min3A_235, %get3A_247 : vector<32x128xf32>
        %min3A_250 = arith.minimumf %min3A_237, %max3A_249 : vector<32x128xf32>
        %max3A_251 = arith.maximumf %min3A_237, %max3A_249 : vector<32x128xf32>
        %min3A_252 = arith.minimumf %min3A_239, %max3A_251 : vector<32x128xf32>
        %max3A_253 = arith.maximumf %min3A_239, %max3A_251 : vector<32x128xf32>
        %min3A_254 = arith.minimumf %min3A_241, %max3A_253 : vector<32x128xf32>
        %scan3A_255 = arith.constant 7 : i32
        %mul3A_256 = arith.constant 128 : i32
        %mul3A_257 = arith.muli %scan3A_255, %mul3A_256 : i32
        %get3A_258 = arith.index_cast %mul3A_141 : i32 to index
        %get3A_259 = arith.index_cast %mul3A_257 : i32 to index
        %get3A_260 = vector.load %arg5[%get3A_258, %get3A_259] : memref<256x4096xf32, #tpu.memory_space<vmem>>, vector<32x128xf32>
        %min3A_261 = arith.minimumf %min3A_248, %get3A_260 : vector<32x128xf32>
        %max3A_262 = arith.maximumf %min3A_248, %get3A_260 : vector<32x128xf32>
        %min3A_263 = arith.minimumf %min3A_250, %max3A_262 : vector<32x128xf32>
        %max3A_264 = arith.maximumf %min3A_250, %max3A_262 : vector<32x128xf32>
        %min3A_265 = arith.minimumf %min3A_252, %max3A_264 : vector<32x128xf32>
        %max3A_266 = arith.maximumf %min3A_252, %max3A_264 : vector<32x128xf32>
        %min3A_267 = arith.minimumf %min3A_254, %max3A_266 : vector<32x128xf32>
        %scan3A_268 = arith.constant 8 : i32
        %mul3A_269 = arith.constant 128 : i32
        %mul3A_270 = arith.muli %scan3A_268, %mul3A_269 : i32
        %get3A_271 = arith.index_cast %mul3A_141 : i32 to index
        %get3A_272 = arith.index_cast %mul3A_270 : i32 to index
        %get3A_273 = vector.load %arg5[%get3A_271, %get3A_272] : memref<256x4096xf32, #tpu.memory_space<vmem>>, vector<32x128xf32>
        %min3A_274 = arith.minimumf %min3A_261, %get3A_273 : vector<32x128xf32>
        %max3A_275 = arith.maximumf %min3A_261, %get3A_273 : vector<32x128xf32>
        %min3A_276 = arith.minimumf %min3A_263, %max3A_275 : vector<32x128xf32>
        %max3A_277 = arith.maximumf %min3A_263, %max3A_275 : vector<32x128xf32>
        %min3A_278 = arith.minimumf %min3A_265, %max3A_277 : vector<32x128xf32>
        %max3A_279 = arith.maximumf %min3A_265, %max3A_277 : vector<32x128xf32>
        %min3A_280 = arith.minimumf %min3A_267, %max3A_279 : vector<32x128xf32>
        %scan3A_281 = arith.constant 9 : i32
        %mul3A_282 = arith.constant 128 : i32
        %mul3A_283 = arith.muli %scan3A_281, %mul3A_282 : i32
        %get3A_284 = arith.index_cast %mul3A_141 : i32 to index
        %get3A_285 = arith.index_cast %mul3A_283 : i32 to index
        %get3A_286 = vector.load %arg5[%get3A_284, %get3A_285] : memref<256x4096xf32, #tpu.memory_space<vmem>>, vector<32x128xf32>
        %min3A_287 = arith.minimumf %min3A_274, %get3A_286 : vector<32x128xf32>
        %max3A_288 = arith.maximumf %min3A_274, %get3A_286 : vector<32x128xf32>
        %min3A_289 = arith.minimumf %min3A_276, %max3A_288 : vector<32x128xf32>
        %max3A_290 = arith.maximumf %min3A_276, %max3A_288 : vector<32x128xf32>
        %min3A_291 = arith.minimumf %min3A_278, %max3A_290 : vector<32x128xf32>
        %max3A_292 = arith.maximumf %min3A_278, %max3A_290 : vector<32x128xf32>
        %min3A_293 = arith.minimumf %min3A_280, %max3A_292 : vector<32x128xf32>
        %scan3A_294 = arith.constant 10 : i32
        %mul3A_295 = arith.constant 128 : i32
        %mul3A_296 = arith.muli %scan3A_294, %mul3A_295 : i32
        %get3A_297 = arith.index_cast %mul3A_141 : i32 to index
        %get3A_298 = arith.index_cast %mul3A_296 : i32 to index
        %get3A_299 = vector.load %arg5[%get3A_297, %get3A_298] : memref<256x4096xf32, #tpu.memory_space<vmem>>, vector<32x128xf32>
        %min3A_300 = arith.minimumf %min3A_287, %get3A_299 : vector<32x128xf32>
        %max3A_301 = arith.maximumf %min3A_287, %get3A_299 : vector<32x128xf32>
        %min3A_302 = arith.minimumf %min3A_289, %max3A_301 : vector<32x128xf32>
        %max3A_303 = arith.maximumf %min3A_289, %max3A_301 : vector<32x128xf32>
        %min3A_304 = arith.minimumf %min3A_291, %max3A_303 : vector<32x128xf32>
        %max3A_305 = arith.maximumf %min3A_291, %max3A_303 : vector<32x128xf32>
        %min3A_306 = arith.minimumf %min3A_293, %max3A_305 : vector<32x128xf32>
        %scan3A_307 = arith.constant 11 : i32
        %mul3A_308 = arith.constant 128 : i32
        %mul3A_309 = arith.muli %scan3A_307, %mul3A_308 : i32
        %get3A_310 = arith.index_cast %mul3A_141 : i32 to index
        %get3A_311 = arith.index_cast %mul3A_309 : i32 to index
        %get3A_312 = vector.load %arg5[%get3A_310, %get3A_311] : memref<256x4096xf32, #tpu.memory_space<vmem>>, vector<32x128xf32>
        %min3A_313 = arith.minimumf %min3A_300, %get3A_312 : vector<32x128xf32>
        %max3A_314 = arith.maximumf %min3A_300, %get3A_312 : vector<32x128xf32>
        %min3A_315 = arith.minimumf %min3A_302, %max3A_314 : vector<32x128xf32>
        %max3A_316 = arith.maximumf %min3A_302, %max3A_314 : vector<32x128xf32>
        %min3A_317 = arith.minimumf %min3A_304, %max3A_316 : vector<32x128xf32>
        %max3A_318 = arith.maximumf %min3A_304, %max3A_316 : vector<32x128xf32>
        %min3A_319 = arith.minimumf %min3A_306, %max3A_318 : vector<32x128xf32>
        %scan3A_320 = arith.constant 12 : i32
        %iota3A_321 = tpu.iota {dimensions = array<i32: 1>} : vector<32x128xi32>
        %add3A_322 = arith.constant 1536 : i32
        %add3A_323 = vector.broadcast %add3A_322 : i32 to vector<32x128xi32>
        %add3A_324 = arith.addi %add3A_323, %iota3A_321 : vector<32x128xi32>
        %lt3A = vector.broadcast %get3A_0 : i32 to vector<32x128xi32>
        %lt3A_325 = arith.cmpi slt, %add3A_324, %lt3A : vector<32x128xi32>
        %get3A_326 = arith.index_cast %mul3A_141 : i32 to index
        %get3A_327 = arith.constant 1536 : index
        %get3A_328 = vector.load %arg5[%get3A_326, %get3A_327] : memref<256x4096xf32, #tpu.memory_space<vmem>>, vector<32x128xf32>
        %jit3A_329 = arith.constant 1.000000e+07 : f32
        %broadcast_in_dim3A_330 = vector.broadcast %jit3A_329 : f32 to vector<32x128xf32>
        %select_n3A_331 = arith.select %lt3A_325, %get3A_328, %broadcast_in_dim3A_330 : vector<32x128xi1>, vector<32x128xf32>
        %min3A_332 = arith.minimumf %min3A_313, %select_n3A_331 : vector<32x128xf32>
        %max3A_333 = arith.maximumf %min3A_313, %select_n3A_331 : vector<32x128xf32>
        %min3A_334 = arith.minimumf %min3A_315, %max3A_333 : vector<32x128xf32>
        %max3A_335 = arith.maximumf %min3A_315, %max3A_333 : vector<32x128xf32>
        %min3A_336 = arith.minimumf %min3A_317, %max3A_335 : vector<32x128xf32>
        %max3A_337 = arith.maximumf %min3A_317, %max3A_335 : vector<32x128xf32>
        %min3A_338 = arith.minimumf %min3A_319, %max3A_337 : vector<32x128xf32>
        %iota3A_339 = tpu.iota {dimensions = array<i32: 1>} : vector<32x128xi32>
        %add3A_340 = arith.constant 1664 : i32
        %add3A_341 = vector.broadcast %add3A_340 : i32 to vector<32x128xi32>
        %add3A_342 = arith.addi %add3A_341, %iota3A_339 : vector<32x128xi32>
        %lt3A_343 = vector.broadcast %get3A_0 : i32 to vector<32x128xi32>
        %lt3A_344 = arith.cmpi slt, %add3A_342, %lt3A_343 : vector<32x128xi32>
        %get3A_345 = arith.index_cast %mul3A_141 : i32 to index
        %get3A_346 = arith.constant 1664 : index
        %get3A_347 = vector.load %arg5[%get3A_345, %get3A_346] : memref<256x4096xf32, #tpu.memory_space<vmem>>, vector<32x128xf32>
        %jit3A_348 = arith.constant 1.000000e+07 : f32
        %broadcast_in_dim3A_349 = vector.broadcast %jit3A_348 : f32 to vector<32x128xf32>
        %select_n3A_350 = arith.select %lt3A_344, %get3A_347, %broadcast_in_dim3A_349 : vector<32x128xi1>, vector<32x128xf32>
        %min3A_351 = arith.minimumf %min3A_332, %select_n3A_350 : vector<32x128xf32>
        %max3A_352 = arith.maximumf %min3A_332, %select_n3A_350 : vector<32x128xf32>
        %min3A_353 = arith.minimumf %min3A_334, %max3A_352 : vector<32x128xf32>
        %max3A_354 = arith.maximumf %min3A_334, %max3A_352 : vector<32x128xf32>
        %min3A_355 = arith.minimumf %min3A_336, %max3A_354 : vector<32x128xf32>
        %max3A_356 = arith.maximumf %min3A_336, %max3A_354 : vector<32x128xf32>
        %min3A_357 = arith.minimumf %min3A_338, %max3A_356 : vector<32x128xf32>
        %iota3A_358 = tpu.iota {dimensions = array<i32: 1>} : vector<32x128xi32>
        %add3A_359 = arith.constant 1792 : i32
        %add3A_360 = vector.broadcast %add3A_359 : i32 to vector<32x128xi32>
        %add3A_361 = arith.addi %add3A_360, %iota3A_358 : vector<32x128xi32>
        %lt3A_362 = vector.broadcast %get3A_0 : i32 to vector<32x128xi32>
        %lt3A_363 = arith.cmpi slt, %add3A_361, %lt3A_362 : vector<32x128xi32>
        %get3A_364 = arith.index_cast %mul3A_141 : i32 to index
        %get3A_365 = arith.constant 1792 : index
        %get3A_366 = vector.load %arg5[%get3A_364, %get3A_365] : memref<256x4096xf32, #tpu.memory_space<vmem>>, vector<32x128xf32>
        %jit3A_367 = arith.constant 1.000000e+07 : f32
        %broadcast_in_dim3A_368 = vector.broadcast %jit3A_367 : f32 to vector<32x128xf32>
        %select_n3A_369 = arith.select %lt3A_363, %get3A_366, %broadcast_in_dim3A_368 : vector<32x128xi1>, vector<32x128xf32>
        %min3A_370 = arith.minimumf %min3A_351, %select_n3A_369 : vector<32x128xf32>
        %max3A_371 = arith.maximumf %min3A_351, %select_n3A_369 : vector<32x128xf32>
        %min3A_372 = arith.minimumf %min3A_353, %max3A_371 : vector<32x128xf32>
        %max3A_373 = arith.maximumf %min3A_353, %max3A_371 : vector<32x128xf32>
        %min3A_374 = arith.minimumf %min3A_355, %max3A_373 : vector<32x128xf32>
        %max3A_375 = arith.maximumf %min3A_355, %max3A_373 : vector<32x128xf32>
        %min3A_376 = arith.minimumf %min3A_357, %max3A_375 : vector<32x128xf32>
        %iota3A_377 = tpu.iota {dimensions = array<i32: 1>} : vector<32x128xi32>
        %add3A_378 = arith.constant 1920 : i32
        %add3A_379 = vector.broadcast %add3A_378 : i32 to vector<32x128xi32>
        %add3A_380 = arith.addi %add3A_379, %iota3A_377 : vector<32x128xi32>
        %lt3A_381 = vector.broadcast %get3A_0 : i32 to vector<32x128xi32>
        %lt3A_382 = arith.cmpi slt, %add3A_380, %lt3A_381 : vector<32x128xi32>
        %get3A_383 = arith.index_cast %mul3A_141 : i32 to index
        %get3A_384 = arith.constant 1920 : index
        %get3A_385 = vector.load %arg5[%get3A_383, %get3A_384] : memref<256x4096xf32, #tpu.memory_space<vmem>>, vector<32x128xf32>
        %jit3A_386 = arith.constant 1.000000e+07 : f32
        %broadcast_in_dim3A_387 = vector.broadcast %jit3A_386 : f32 to vector<32x128xf32>
        %select_n3A_388 = arith.select %lt3A_382, %get3A_385, %broadcast_in_dim3A_387 : vector<32x128xi1>, vector<32x128xf32>
        %min3A_389 = arith.minimumf %min3A_370, %select_n3A_388 : vector<32x128xf32>
        %max3A_390 = arith.maximumf %min3A_370, %select_n3A_388 : vector<32x128xf32>
        %min3A_391 = arith.minimumf %min3A_372, %max3A_390 : vector<32x128xf32>
        %max3A_392 = arith.maximumf %min3A_372, %max3A_390 : vector<32x128xf32>
        %min3A_393 = arith.minimumf %min3A_374, %max3A_392 : vector<32x128xf32>
        %max3A_394 = arith.maximumf %min3A_374, %max3A_392 : vector<32x128xf32>
        %min3A_395 = arith.minimumf %min3A_376, %max3A_394 : vector<32x128xf32>
        %iota3A_396 = tpu.iota {dimensions = array<i32: 1>} : vector<32x128xi32>
        %add3A_397 = arith.constant 2048 : i32
        %add3A_398 = vector.broadcast %add3A_397 : i32 to vector<32x128xi32>
        %add3A_399 = arith.addi %add3A_398, %iota3A_396 : vector<32x128xi32>
        %lt3A_400 = vector.broadcast %get3A_0 : i32 to vector<32x128xi32>
        %lt3A_401 = arith.cmpi slt, %add3A_399, %lt3A_400 : vector<32x128xi32>
        %get3A_402 = arith.index_cast %mul3A_141 : i32 to index
        %get3A_403 = arith.constant 2048 : index
        %get3A_404 = vector.load %arg5[%get3A_402, %get3A_403] : memref<256x4096xf32, #tpu.memory_space<vmem>>, vector<32x128xf32>
        %jit3A_405 = arith.constant 1.000000e+07 : f32
        %broadcast_in_dim3A_406 = vector.broadcast %jit3A_405 : f32 to vector<32x128xf32>
        %select_n3A_407 = arith.select %lt3A_401, %get3A_404, %broadcast_in_dim3A_406 : vector<32x128xi1>, vector<32x128xf32>
        %min3A_408 = arith.minimumf %min3A_389, %select_n3A_407 : vector<32x128xf32>
        %max3A_409 = arith.maximumf %min3A_389, %select_n3A_407 : vector<32x128xf32>
        %min3A_410 = arith.minimumf %min3A_391, %max3A_409 : vector<32x128xf32>
        %max3A_411 = arith.maximumf %min3A_391, %max3A_409 : vector<32x128xf32>
        %min3A_412 = arith.minimumf %min3A_393, %max3A_411 : vector<32x128xf32>
        %max3A_413 = arith.maximumf %min3A_393, %max3A_411 : vector<32x128xf32>
        %min3A_414 = arith.minimumf %min3A_395, %max3A_413 : vector<32x128xf32>
        %iota3A_415 = tpu.iota {dimensions = array<i32: 1>} : vector<32x128xi32>
        %add3A_416 = arith.constant 2176 : i32
        %add3A_417 = vector.broadcast %add3A_416 : i32 to vector<32x128xi32>
        %add3A_418 = arith.addi %add3A_417, %iota3A_415 : vector<32x128xi32>
        %lt3A_419 = vector.broadcast %get3A_0 : i32 to vector<32x128xi32>
        %lt3A_420 = arith.cmpi slt, %add3A_418, %lt3A_419 : vector<32x128xi32>
        %get3A_421 = arith.index_cast %mul3A_141 : i32 to index
        %get3A_422 = arith.constant 2176 : index
        %get3A_423 = vector.load %arg5[%get3A_421, %get3A_422] : memref<256x4096xf32, #tpu.memory_space<vmem>>, vector<32x128xf32>
        %jit3A_424 = arith.constant 1.000000e+07 : f32
        %broadcast_in_dim3A_425 = vector.broadcast %jit3A_424 : f32 to vector<32x128xf32>
        %select_n3A_426 = arith.select %lt3A_420, %get3A_423, %broadcast_in_dim3A_425 : vector<32x128xi1>, vector<32x128xf32>
        %min3A_427 = arith.minimumf %min3A_408, %select_n3A_426 : vector<32x128xf32>
        %max3A_428 = arith.maximumf %min3A_408, %select_n3A_426 : vector<32x128xf32>
        %min3A_429 = arith.minimumf %min3A_410, %max3A_428 : vector<32x128xf32>
        %max3A_430 = arith.maximumf %min3A_410, %max3A_428 : vector<32x128xf32>
        %min3A_431 = arith.minimumf %min3A_412, %max3A_430 : vector<32x128xf32>
        %max3A_432 = arith.maximumf %min3A_412, %max3A_430 : vector<32x128xf32>
        %min3A_433 = arith.minimumf %min3A_414, %max3A_432 : vector<32x128xf32>
        %iota3A_434 = tpu.iota {dimensions = array<i32: 1>} : vector<32x128xi32>
        %add3A_435 = arith.constant 2304 : i32
        %add3A_436 = vector.broadcast %add3A_435 : i32 to vector<32x128xi32>
        %add3A_437 = arith.addi %add3A_436, %iota3A_434 : vector<32x128xi32>
        %lt3A_438 = vector.broadcast %get3A_0 : i32 to vector<32x128xi32>
        %lt3A_439 = arith.cmpi slt, %add3A_437, %lt3A_438 : vector<32x128xi32>
        %get3A_440 = arith.index_cast %mul3A_141 : i32 to index
        %get3A_441 = arith.constant 2304 : index
        %get3A_442 = vector.load %arg5[%get3A_440, %get3A_441] : memref<256x4096xf32, #tpu.memory_space<vmem>>, vector<32x128xf32>
        %jit3A_443 = arith.constant 1.000000e+07 : f32
        %broadcast_in_dim3A_444 = vector.broadcast %jit3A_443 : f32 to vector<32x128xf32>
        %select_n3A_445 = arith.select %lt3A_439, %get3A_442, %broadcast_in_dim3A_444 : vector<32x128xi1>, vector<32x128xf32>
        %min3A_446 = arith.minimumf %min3A_427, %select_n3A_445 : vector<32x128xf32>
        %max3A_447 = arith.maximumf %min3A_427, %select_n3A_445 : vector<32x128xf32>
        %min3A_448 = arith.minimumf %min3A_429, %max3A_447 : vector<32x128xf32>
        %max3A_449 = arith.maximumf %min3A_429, %max3A_447 : vector<32x128xf32>
        %min3A_450 = arith.minimumf %min3A_431, %max3A_449 : vector<32x128xf32>
        %max3A_451 = arith.maximumf %min3A_431, %max3A_449 : vector<32x128xf32>
        %min3A_452 = arith.minimumf %min3A_433, %max3A_451 : vector<32x128xf32>
        %iota3A_453 = tpu.iota {dimensions = array<i32: 1>} : vector<32x128xi32>
        %add3A_454 = arith.constant 2432 : i32
        %add3A_455 = vector.broadcast %add3A_454 : i32 to vector<32x128xi32>
        %add3A_456 = arith.addi %add3A_455, %iota3A_453 : vector<32x128xi32>
        %lt3A_457 = vector.broadcast %get3A_0 : i32 to vector<32x128xi32>
        %lt3A_458 = arith.cmpi slt, %add3A_456, %lt3A_457 : vector<32x128xi32>
        %get3A_459 = arith.index_cast %mul3A_141 : i32 to index
        %get3A_460 = arith.constant 2432 : index
        %get3A_461 = vector.load %arg5[%get3A_459, %get3A_460] : memref<256x4096xf32, #tpu.memory_space<vmem>>, vector<32x128xf32>
        %jit3A_462 = arith.constant 1.000000e+07 : f32
        %broadcast_in_dim3A_463 = vector.broadcast %jit3A_462 : f32 to vector<32x128xf32>
        %select_n3A_464 = arith.select %lt3A_458, %get3A_461, %broadcast_in_dim3A_463 : vector<32x128xi1>, vector<32x128xf32>
        %min3A_465 = arith.minimumf %min3A_446, %select_n3A_464 : vector<32x128xf32>
        %max3A_466 = arith.maximumf %min3A_446, %select_n3A_464 : vector<32x128xf32>
        %min3A_467 = arith.minimumf %min3A_448, %max3A_466 : vector<32x128xf32>
        %max3A_468 = arith.maximumf %min3A_448, %max3A_466 : vector<32x128xf32>
        %min3A_469 = arith.minimumf %min3A_450, %max3A_468 : vector<32x128xf32>
        %max3A_470 = arith.maximumf %min3A_450, %max3A_468 : vector<32x128xf32>
        %min3A_471 = arith.minimumf %min3A_452, %max3A_470 : vector<32x128xf32>
        %concatenate3A = tpu.concatenate %min3A_465, %min3A_467, %min3A_469, %min3A_471 in 1 : vector<32x128xf32>, vector<32x128xf32>, vector<32x128xf32>, vector<32x128xf32> -> vector<32x512xf32>
        %broadcast_in_dim3A_472 = arith.constant 4 : i32
        %broadcast_in_dim3A_473 = vector.broadcast %broadcast_in_dim3A_472 : i32 to vector<32x1xi32>
        %broadcast_in_dim3A_474 = arith.constant 0.000000e+00 : f32
        %broadcast_in_dim3A_475 = vector.broadcast %broadcast_in_dim3A_474 : f32 to vector<32x1xf32>
        %reduce_min3A = arith.constant dense<0x7F800000> : vector<32xf32>
        %reduce_min3A_476 = vector.multi_reduction <minimumf>, %concatenate3A, %reduce_min3A [1] : vector<32x512xf32> to vector<32xf32>
        %broadcast_in_dim3A_477 = vector.shape_cast %reduce_min3A_476 : vector<32xf32> to vector<32x1xf32>
        %eq3A_478 = vector.broadcast %broadcast_in_dim3A_477 : vector<32x1xf32> to vector<32x512xf32>
        %eq3A_479 = arith.cmpf oeq, %concatenate3A, %eq3A_478 : vector<32x512xf32>
        %convert_element_type3A_480 = arith.extui %eq3A_479 : vector<32x512xi1> to vector<32x512xi32>
        %reduce_sum3A_481 = arith.constant dense<0> : vector<32xi32>
        %reduce_sum3A_482 = vector.multi_reduction <add>, %convert_element_type3A_480, %reduce_sum3A_481 [1] : vector<32x512xi32> to vector<32xi32>
        %broadcast_in_dim3A_483 = vector.shape_cast %reduce_sum3A_482 : vector<32xi32> to vector<32x1xi32>
        %gt3A = arith.constant 0 : i32
        %gt3A_484 = vector.broadcast %gt3A : i32 to vector<32x1xi32>
        %gt3A_485 = arith.cmpi sgt, %broadcast_in_dim3A_473, %gt3A_484 : vector<32x1xi32>
        %select_n3A_486 = arith.select %gt3A_485, %broadcast_in_dim3A_477, %broadcast_in_dim3A_475 : vector<32x1xi1>, vector<32x1xf32>
        %sub3A_487 = arith.subi %broadcast_in_dim3A_473, %broadcast_in_dim3A_483 : vector<32x1xi32>
        %jit3A_488 = arith.constant 3.000000e+07 : f32
        %broadcast_in_dim3A_489 = vector.broadcast %jit3A_488 : f32 to vector<32x512xf32>
        %select_n3A_490 = arith.select %eq3A_479, %broadcast_in_dim3A_489, %concatenate3A : vector<32x512xi1>, vector<32x512xf32>
        %reduce_min3A_491 = arith.constant dense<0x7F800000> : vector<32xf32>
        %reduce_min3A_492 = vector.multi_reduction <minimumf>, %select_n3A_490, %reduce_min3A_491 [1] : vector<32x512xf32> to vector<32xf32>
        %broadcast_in_dim3A_493 = vector.shape_cast %reduce_min3A_492 : vector<32xf32> to vector<32x1xf32>
        %eq3A_494 = vector.broadcast %broadcast_in_dim3A_493 : vector<32x1xf32> to vector<32x512xf32>
        %eq3A_495 = arith.cmpf oeq, %select_n3A_490, %eq3A_494 : vector<32x512xf32>
        %convert_element_type3A_496 = arith.extui %eq3A_495 : vector<32x512xi1> to vector<32x512xi32>
        %reduce_sum3A_497 = arith.constant dense<0> : vector<32xi32>
        %reduce_sum3A_498 = vector.multi_reduction <add>, %convert_element_type3A_496, %reduce_sum3A_497 [1] : vector<32x512xi32> to vector<32xi32>
        %broadcast_in_dim3A_499 = vector.shape_cast %reduce_sum3A_498 : vector<32xi32> to vector<32x1xi32>
        %gt3A_500 = arith.constant 0 : i32
        %gt3A_501 = vector.broadcast %gt3A_500 : i32 to vector<32x1xi32>
        %gt3A_502 = arith.cmpi sgt, %sub3A_487, %gt3A_501 : vector<32x1xi32>
        %select_n3A_503 = arith.select %gt3A_502, %broadcast_in_dim3A_493, %select_n3A_486 : vector<32x1xi1>, vector<32x1xf32>
        %sub3A_504 = arith.subi %sub3A_487, %broadcast_in_dim3A_499 : vector<32x1xi32>
        %jit3A_505 = arith.constant 3.000000e+07 : f32
        %broadcast_in_dim3A_506 = vector.broadcast %jit3A_505 : f32 to vector<32x512xf32>
        %select_n3A_507 = arith.select %eq3A_495, %broadcast_in_dim3A_506, %select_n3A_490 : vector<32x512xi1>, vector<32x512xf32>
        %reduce_min3A_508 = arith.constant dense<0x7F800000> : vector<32xf32>
        %reduce_min3A_509 = vector.multi_reduction <minimumf>, %select_n3A_507, %reduce_min3A_508 [1] : vector<32x512xf32> to vector<32xf32>
        %broadcast_in_dim3A_510 = vector.shape_cast %reduce_min3A_509 : vector<32xf32> to vector<32x1xf32>
        %eq3A_511 = vector.broadcast %broadcast_in_dim3A_510 : vector<32x1xf32> to vector<32x512xf32>
        %eq3A_512 = arith.cmpf oeq, %select_n3A_507, %eq3A_511 : vector<32x512xf32>
        %convert_element_type3A_513 = arith.extui %eq3A_512 : vector<32x512xi1> to vector<32x512xi32>
        %reduce_sum3A_514 = arith.constant dense<0> : vector<32xi32>
        %reduce_sum3A_515 = vector.multi_reduction <add>, %convert_element_type3A_513, %reduce_sum3A_514 [1] : vector<32x512xi32> to vector<32xi32>
        %broadcast_in_dim3A_516 = vector.shape_cast %reduce_sum3A_515 : vector<32xi32> to vector<32x1xi32>
        %gt3A_517 = arith.constant 0 : i32
        %gt3A_518 = vector.broadcast %gt3A_517 : i32 to vector<32x1xi32>
        %gt3A_519 = arith.cmpi sgt, %sub3A_504, %gt3A_518 : vector<32x1xi32>
        %select_n3A_520 = arith.select %gt3A_519, %broadcast_in_dim3A_510, %select_n3A_503 : vector<32x1xi1>, vector<32x1xf32>
        %sub3A_521 = arith.subi %sub3A_504, %broadcast_in_dim3A_516 : vector<32x1xi32>
        %jit3A_522 = arith.constant 3.000000e+07 : f32
        %broadcast_in_dim3A_523 = vector.broadcast %jit3A_522 : f32 to vector<32x512xf32>
        %select_n3A_524 = arith.select %eq3A_512, %broadcast_in_dim3A_523, %select_n3A_507 : vector<32x512xi1>, vector<32x512xf32>
        %reduce_min3A_525 = arith.constant dense<0x7F800000> : vector<32xf32>
        %reduce_min3A_526 = vector.multi_reduction <minimumf>, %select_n3A_524, %reduce_min3A_525 [1] : vector<32x512xf32> to vector<32xf32>
        %broadcast_in_dim3A_527 = vector.shape_cast %reduce_min3A_526 : vector<32xf32> to vector<32x1xf32>
        %gt3A_528 = arith.constant 0 : i32
        %gt3A_529 = vector.broadcast %gt3A_528 : i32 to vector<32x1xi32>
        %gt3A_530 = arith.cmpi sgt, %sub3A_521, %gt3A_529 : vector<32x1xi32>
        %select_n3A_531 = arith.select %gt3A_530, %broadcast_in_dim3A_527, %select_n3A_520 : vector<32x1xi1>, vector<32x1xf32>
        %swap3A_532 = arith.index_cast %mul3A_141 : i32 to index
        %swap3A_533 = arith.constant 0 : index
        %swap3A_534 = vector.load %arg6[%swap3A_532, %swap3A_533] : memref<256x1xf32, #tpu.memory_space<vmem>>, vector<32x1xf32>
        tpu.vector_store %arg6[%swap3A_532, %swap3A_533], %select_n3A_531 {strides = array<i32>} : memref<256x1xf32, #tpu.memory_space<vmem>>, vector<32x1xf32>,
      } else {
      }
      %convert_element_type3A_151 = arith.extui %and3A_147 : i1 to i32
      %cond3A_152 = arith.constant 0 : i32
      %cond3A_153 = arith.cmpi ne, %convert_element_type3A_151, %cond3A_152 : i32
      scf.if %cond3A_153 {
        %broadcast_in_dim3A_158 = arith.constant 3.000000e+07 : f32
        %broadcast_in_dim3A_159 = vector.broadcast %broadcast_in_dim3A_158 : f32 to vector<32x128xf32>
        %broadcast_in_dim3A_160 = arith.constant 3.000000e+07 : f32
        %broadcast_in_dim3A_161 = vector.broadcast %broadcast_in_dim3A_160 : f32 to vector<32x128xf32>
        %broadcast_in_dim3A_162 = arith.constant 3.000000e+07 : f32
        %broadcast_in_dim3A_163 = vector.broadcast %broadcast_in_dim3A_162 : f32 to vector<32x128xf32>
        %broadcast_in_dim3A_164 = arith.constant 3.000000e+07 : f32
        %broadcast_in_dim3A_165 = vector.broadcast %broadcast_in_dim3A_164 : f32 to vector<32x128xf32>
        %scan3A_166 = arith.constant 20 : i32
        %mul3A_167 = arith.constant 128 : i32
        %mul3A_168 = arith.muli %scan3A_166, %mul3A_167 : i32
        %get3A_169 = arith.index_cast %mul3A_141 : i32 to index
        %get3A_170 = arith.index_cast %mul3A_168 : i32 to index
        %get3A_171 = vector.load %arg5[%get3A_169, %get3A_170] : memref<256x4096xf32, #tpu.memory_space<vmem>>, vector<32x128xf32>
        %min3A = arith.minimumf %broadcast_in_dim3A_159, %get3A_171 : vector<32x128xf32>
        %max3A = arith.maximumf %broadcast_in_dim3A_159, %get3A_171 : vector<32x128xf32>
        %min3A_172 = arith.minimumf %broadcast_in_dim3A_161, %max3A : vector<32x128xf32>
        %max3A_173 = arith.maximumf %broadcast_in_dim3A_161, %max3A : vector<32x128xf32>
        %min3A_174 = arith.minimumf %broadcast_in_dim3A_163, %max3A_173 : vector<32x128xf32>
        %max3A_175 = arith.maximumf %broadcast_in_dim3A_163, %max3A_173 : vector<32x128xf32>
        %min3A_176 = arith.minimumf %broadcast_in_dim3A_165, %max3A_175 : vector<32x128xf32>
        %scan3A_177 = arith.constant 21 : i32
        %mul3A_178 = arith.constant 128 : i32
        %mul3A_179 = arith.muli %scan3A_177, %mul3A_178 : i32
        %get3A_180 = arith.index_cast %mul3A_141 : i32 to index
        %get3A_181 = arith.index_cast %mul3A_179 : i32 to index
        %get3A_182 = vector.load %arg5[%get3A_180, %get3A_181] : memref<256x4096xf32, #tpu.memory_space<vmem>>, vector<32x128xf32>
        %min3A_183 = arith.minimumf %min3A, %get3A_182 : vector<32x128xf32>
        %max3A_184 = arith.maximumf %min3A, %get3A_182 : vector<32x128xf32>
        %min3A_185 = arith.minimumf %min3A_172, %max3A_184 : vector<32x128xf32>
        %max3A_186 = arith.maximumf %min3A_172, %max3A_184 : vector<32x128xf32>
        %min3A_187 = arith.minimumf %min3A_174, %max3A_186 : vector<32x128xf32>
        %max3A_188 = arith.maximumf %min3A_174, %max3A_186 : vector<32x128xf32>
        %min3A_189 = arith.minimumf %min3A_176, %max3A_188 : vector<32x128xf32>
        %scan3A_190 = arith.constant 22 : i32
        %mul3A_191 = arith.constant 128 : i32
        %mul3A_192 = arith.muli %scan3A_190, %mul3A_191 : i32
        %get3A_193 = arith.index_cast %mul3A_141 : i32 to index
        %get3A_194 = arith.index_cast %mul3A_192 : i32 to index
        %get3A_195 = vector.load %arg5[%get3A_193, %get3A_194] : memref<256x4096xf32, #tpu.memory_space<vmem>>, vector<32x128xf32>
        %min3A_196 = arith.minimumf %min3A_183, %get3A_195 : vector<32x128xf32>
        %max3A_197 = arith.maximumf %min3A_183, %get3A_195 : vector<32x128xf32>
        %min3A_198 = arith.minimumf %min3A_185, %max3A_197 : vector<32x128xf32>
        %max3A_199 = arith.maximumf %min3A_185, %max3A_197 : vector<32x128xf32>
        %min3A_200 = arith.minimumf %min3A_187, %max3A_199 : vector<32x128xf32>
        %max3A_201 = arith.maximumf %min3A_187, %max3A_199 : vector<32x128xf32>
        %min3A_202 = arith.minimumf %min3A_189, %max3A_201 : vector<32x128xf32>
        %scan3A_203 = arith.constant 23 : i32
        %mul3A_204 = arith.constant 128 : i32
        %mul3A_205 = arith.muli %scan3A_203, %mul3A_204 : i32
        %get3A_206 = arith.index_cast %mul3A_141 : i32 to index
        %get3A_207 = arith.index_cast %mul3A_205 : i32 to index
        %get3A_208 = vector.load %arg5[%get3A_206, %get3A_207] : memref<256x4096xf32, #tpu.memory_space<vmem>>, vector<32x128xf32>
        %min3A_209 = arith.minimumf %min3A_196, %get3A_208 : vector<32x128xf32>
        %max3A_210 = arith.maximumf %min3A_196, %get3A_208 : vector<32x128xf32>
        %min3A_211 = arith.minimumf %min3A_198, %max3A_210 : vector<32x128xf32>
        %max3A_212 = arith.maximumf %min3A_198, %max3A_210 : vector<32x128xf32>
        %min3A_213 = arith.minimumf %min3A_200, %max3A_212 : vector<32x128xf32>
        %max3A_214 = arith.maximumf %min3A_200, %max3A_212 : vector<32x128xf32>
        %min3A_215 = arith.minimumf %min3A_202, %max3A_214 : vector<32x128xf32>
        %scan3A_216 = arith.constant 24 : i32
        %mul3A_217 = arith.constant 128 : i32
        %mul3A_218 = arith.muli %scan3A_216, %mul3A_217 : i32
        %get3A_219 = arith.index_cast %mul3A_141 : i32 to index
        %get3A_220 = arith.index_cast %mul3A_218 : i32 to index
        %get3A_221 = vector.load %arg5[%get3A_219, %get3A_220] : memref<256x4096xf32, #tpu.memory_space<vmem>>, vector<32x128xf32>
        %min3A_222 = arith.minimumf %min3A_209, %get3A_221 : vector<32x128xf32>
        %max3A_223 = arith.maximumf %min3A_209, %get3A_221 : vector<32x128xf32>
        %min3A_224 = arith.minimumf %min3A_211, %max3A_223 : vector<32x128xf32>
        %max3A_225 = arith.maximumf %min3A_211, %max3A_223 : vector<32x128xf32>
        %min3A_226 = arith.minimumf %min3A_213, %max3A_225 : vector<32x128xf32>
        %max3A_227 = arith.maximumf %min3A_213, %max3A_225 : vector<32x128xf32>
        %min3A_228 = arith.minimumf %min3A_215, %max3A_227 : vector<32x128xf32>
        %scan3A_229 = arith.constant 25 : i32
        %mul3A_230 = arith.constant 128 : i32
        %mul3A_231 = arith.muli %scan3A_229, %mul3A_230 : i32
        %get3A_232 = arith.index_cast %mul3A_141 : i32 to index
        %get3A_233 = arith.index_cast %mul3A_231 : i32 to index
        %get3A_234 = vector.load %arg5[%get3A_232, %get3A_233] : memref<256x4096xf32, #tpu.memory_space<vmem>>, vector<32x128xf32>
        %min3A_235 = arith.minimumf %min3A_222, %get3A_234 : vector<32x128xf32>
        %max3A_236 = arith.maximumf %min3A_222, %get3A_234 : vector<32x128xf32>
        %min3A_237 = arith.minimumf %min3A_224, %max3A_236 : vector<32x128xf32>
        %max3A_238 = arith.maximumf %min3A_224, %max3A_236 : vector<32x128xf32>
        %min3A_239 = arith.minimumf %min3A_226, %max3A_238 : vector<32x128xf32>
        %max3A_240 = arith.maximumf %min3A_226, %max3A_238 : vector<32x128xf32>
        %min3A_241 = arith.minimumf %min3A_228, %max3A_240 : vector<32x128xf32>
        %scan3A_242 = arith.constant 26 : i32
        %mul3A_243 = arith.constant 128 : i32
        %mul3A_244 = arith.muli %scan3A_242, %mul3A_243 : i32
        %get3A_245 = arith.index_cast %mul3A_141 : i32 to index
        %get3A_246 = arith.index_cast %mul3A_244 : i32 to index
        %get3A_247 = vector.load %arg5[%get3A_245, %get3A_246] : memref<256x4096xf32, #tpu.memory_space<vmem>>, vector<32x128xf32>
        %min3A_248 = arith.minimumf %min3A_235, %get3A_247 : vector<32x128xf32>
        %max3A_249 = arith.maximumf %min3A_235, %get3A_247 : vector<32x128xf32>
        %min3A_250 = arith.minimumf %min3A_237, %max3A_249 : vector<32x128xf32>
        %max3A_251 = arith.maximumf %min3A_237, %max3A_249 : vector<32x128xf32>
        %min3A_252 = arith.minimumf %min3A_239, %max3A_251 : vector<32x128xf32>
        %max3A_253 = arith.maximumf %min3A_239, %max3A_251 : vector<32x128xf32>
        %min3A_254 = arith.minimumf %min3A_241, %max3A_253 : vector<32x128xf32>
        %scan3A_255 = arith.constant 27 : i32
        %mul3A_256 = arith.constant 128 : i32
        %mul3A_257 = arith.muli %scan3A_255, %mul3A_256 : i32
        %get3A_258 = arith.index_cast %mul3A_141 : i32 to index
        %get3A_259 = arith.index_cast %mul3A_257 : i32 to index
        %get3A_260 = vector.load %arg5[%get3A_258, %get3A_259] : memref<256x4096xf32, #tpu.memory_space<vmem>>, vector<32x128xf32>
        %min3A_261 = arith.minimumf %min3A_248, %get3A_260 : vector<32x128xf32>
        %max3A_262 = arith.maximumf %min3A_248, %get3A_260 : vector<32x128xf32>
        %min3A_263 = arith.minimumf %min3A_250, %max3A_262 : vector<32x128xf32>
        %max3A_264 = arith.maximumf %min3A_250, %max3A_262 : vector<32x128xf32>
        %min3A_265 = arith.minimumf %min3A_252, %max3A_264 : vector<32x128xf32>
        %max3A_266 = arith.maximumf %min3A_252, %max3A_264 : vector<32x128xf32>
        %min3A_267 = arith.minimumf %min3A_254, %max3A_266 : vector<32x128xf32>
        %scan3A_268 = arith.constant 28 : i32
        %mul3A_269 = arith.constant 128 : i32
        %mul3A_270 = arith.muli %scan3A_268, %mul3A_269 : i32
        %get3A_271 = arith.index_cast %mul3A_141 : i32 to index
        %get3A_272 = arith.index_cast %mul3A_270 : i32 to index
        %get3A_273 = vector.load %arg5[%get3A_271, %get3A_272] : memref<256x4096xf32, #tpu.memory_space<vmem>>, vector<32x128xf32>
        %min3A_274 = arith.minimumf %min3A_261, %get3A_273 : vector<32x128xf32>
        %max3A_275 = arith.maximumf %min3A_261, %get3A_273 : vector<32x128xf32>
        %min3A_276 = arith.minimumf %min3A_263, %max3A_275 : vector<32x128xf32>
        %max3A_277 = arith.maximumf %min3A_263, %max3A_275 : vector<32x128xf32>
        %min3A_278 = arith.minimumf %min3A_265, %max3A_277 : vector<32x128xf32>
        %max3A_279 = arith.maximumf %min3A_265, %max3A_277 : vector<32x128xf32>
        %min3A_280 = arith.minimumf %min3A_267, %max3A_279 : vector<32x128xf32>
        %scan3A_281 = arith.constant 29 : i32
        %mul3A_282 = arith.constant 128 : i32
        %mul3A_283 = arith.muli %scan3A_281, %mul3A_282 : i32
        %get3A_284 = arith.index_cast %mul3A_141 : i32 to index
        %get3A_285 = arith.index_cast %mul3A_283 : i32 to index
        %get3A_286 = vector.load %arg5[%get3A_284, %get3A_285] : memref<256x4096xf32, #tpu.memory_space<vmem>>, vector<32x128xf32>
        %min3A_287 = arith.minimumf %min3A_274, %get3A_286 : vector<32x128xf32>
        %max3A_288 = arith.maximumf %min3A_274, %get3A_286 : vector<32x128xf32>
        %min3A_289 = arith.minimumf %min3A_276, %max3A_288 : vector<32x128xf32>
        %max3A_290 = arith.maximumf %min3A_276, %max3A_288 : vector<32x128xf32>
        %min3A_291 = arith.minimumf %min3A_278, %max3A_290 : vector<32x128xf32>
        %max3A_292 = arith.maximumf %min3A_278, %max3A_290 : vector<32x128xf32>
        %min3A_293 = arith.minimumf %min3A_280, %max3A_292 : vector<32x128xf32>
        %scan3A_294 = arith.constant 30 : i32
        %mul3A_295 = arith.constant 128 : i32
        %mul3A_296 = arith.muli %scan3A_294, %mul3A_295 : i32
        %get3A_297 = arith.index_cast %mul3A_141 : i32 to index
        %get3A_298 = arith.index_cast %mul3A_296 : i32 to index
        %get3A_299 = vector.load %arg5[%get3A_297, %get3A_298] : memref<256x4096xf32, #tpu.memory_space<vmem>>, vector<32x128xf32>
        %min3A_300 = arith.minimumf %min3A_287, %get3A_299 : vector<32x128xf32>
        %max3A_301 = arith.maximumf %min3A_287, %get3A_299 : vector<32x128xf32>
        %min3A_302 = arith.minimumf %min3A_289, %max3A_301 : vector<32x128xf32>
        %max3A_303 = arith.maximumf %min3A_289, %max3A_301 : vector<32x128xf32>
        %min3A_304 = arith.minimumf %min3A_291, %max3A_303 : vector<32x128xf32>
        %max3A_305 = arith.maximumf %min3A_291, %max3A_303 : vector<32x128xf32>
        %min3A_306 = arith.minimumf %min3A_293, %max3A_305 : vector<32x128xf32>
        %scan3A_307 = arith.constant 31 : i32
        %mul3A_308 = arith.constant 128 : i32
        %mul3A_309 = arith.muli %scan3A_307, %mul3A_308 : i32
        %get3A_310 = arith.index_cast %mul3A_141 : i32 to index
        %get3A_311 = arith.index_cast %mul3A_309 : i32 to index
        %get3A_312 = vector.load %arg5[%get3A_310, %get3A_311] : memref<256x4096xf32, #tpu.memory_space<vmem>>, vector<32x128xf32>
        %min3A_313 = arith.minimumf %min3A_300, %get3A_312 : vector<32x128xf32>
        %max3A_314 = arith.maximumf %min3A_300, %get3A_312 : vector<32x128xf32>
        %min3A_315 = arith.minimumf %min3A_302, %max3A_314 : vector<32x128xf32>
        %max3A_316 = arith.maximumf %min3A_302, %max3A_314 : vector<32x128xf32>
        %min3A_317 = arith.minimumf %min3A_304, %max3A_316 : vector<32x128xf32>
        %max3A_318 = arith.maximumf %min3A_304, %max3A_316 : vector<32x128xf32>
        %min3A_319 = arith.minimumf %min3A_306, %max3A_318 : vector<32x128xf32>
        %scan3A_320 = arith.constant 12 : i32
        %iota3A_321 = tpu.iota {dimensions = array<i32: 1>} : vector<32x128xi32>
        %add3A_322 = arith.constant 1536 : i32
        %add3A_323 = vector.broadcast %add3A_322 : i32 to vector<32x128xi32>
        %add3A_324 = arith.addi %add3A_323, %iota3A_321 : vector<32x128xi32>
        %ge3A_325 = vector.broadcast %get3A_0 : i32 to vector<32x128xi32>
        %ge3A_326 = arith.cmpi sge, %add3A_324, %ge3A_325 : vector<32x128xi32>
        %get3A_327 = arith.index_cast %mul3A_141 : i32 to index
        %get3A_328 = arith.constant 1536 : index
        %get3A_329 = vector.load %arg5[%get3A_327, %get3A_328] : memref<256x4096xf32, #tpu.memory_space<vmem>>, vector<32x128xf32>
        %jit3A_330 = arith.constant 1.000000e+07 : f32
        %broadcast_in_dim3A_331 = vector.broadcast %jit3A_330 : f32 to vector<32x128xf32>
        %select_n3A_332 = arith.select %ge3A_326, %get3A_329, %broadcast_in_dim3A_331 : vector<32x128xi1>, vector<32x128xf32>
        %min3A_333 = arith.minimumf %min3A_313, %select_n3A_332 : vector<32x128xf32>
        %max3A_334 = arith.maximumf %min3A_313, %select_n3A_332 : vector<32x128xf32>
        %min3A_335 = arith.minimumf %min3A_315, %max3A_334 : vector<32x128xf32>
        %max3A_336 = arith.maximumf %min3A_315, %max3A_334 : vector<32x128xf32>
        %min3A_337 = arith.minimumf %min3A_317, %max3A_336 : vector<32x128xf32>
        %max3A_338 = arith.maximumf %min3A_317, %max3A_336 : vector<32x128xf32>
        %min3A_339 = arith.minimumf %min3A_319, %max3A_338 : vector<32x128xf32>
        %iota3A_340 = tpu.iota {dimensions = array<i32: 1>} : vector<32x128xi32>
        %add3A_341 = arith.constant 1664 : i32
        %add3A_342 = vector.broadcast %add3A_341 : i32 to vector<32x128xi32>
        %add3A_343 = arith.addi %add3A_342, %iota3A_340 : vector<32x128xi32>
        %ge3A_344 = vector.broadcast %get3A_0 : i32 to vector<32x128xi32>
        %ge3A_345 = arith.cmpi sge, %add3A_343, %ge3A_344 : vector<32x128xi32>
        %get3A_346 = arith.index_cast %mul3A_141 : i32 to index
        %get3A_347 = arith.constant 1664 : index
        %get3A_348 = vector.load %arg5[%get3A_346, %get3A_347] : memref<256x4096xf32, #tpu.memory_space<vmem>>, vector<32x128xf32>
        %jit3A_349 = arith.constant 1.000000e+07 : f32
        %broadcast_in_dim3A_350 = vector.broadcast %jit3A_349 : f32 to vector<32x128xf32>
        %select_n3A_351 = arith.select %ge3A_345, %get3A_348, %broadcast_in_dim3A_350 : vector<32x128xi1>, vector<32x128xf32>
        %min3A_352 = arith.minimumf %min3A_333, %select_n3A_351 : vector<32x128xf32>
        %max3A_353 = arith.maximumf %min3A_333, %select_n3A_351 : vector<32x128xf32>
        %min3A_354 = arith.minimumf %min3A_335, %max3A_353 : vector<32x128xf32>
        %max3A_355 = arith.maximumf %min3A_335, %max3A_353 : vector<32x128xf32>
        %min3A_356 = arith.minimumf %min3A_337, %max3A_355 : vector<32x128xf32>
        %max3A_357 = arith.maximumf %min3A_337, %max3A_355 : vector<32x128xf32>
        %min3A_358 = arith.minimumf %min3A_339, %max3A_357 : vector<32x128xf32>
        %iota3A_359 = tpu.iota {dimensions = array<i32: 1>} : vector<32x128xi32>
        %add3A_360 = arith.constant 1792 : i32
        %add3A_361 = vector.broadcast %add3A_360 : i32 to vector<32x128xi32>
        %add3A_362 = arith.addi %add3A_361, %iota3A_359 : vector<32x128xi32>
        %ge3A_363 = vector.broadcast %get3A_0 : i32 to vector<32x128xi32>
        %ge3A_364 = arith.cmpi sge, %add3A_362, %ge3A_363 : vector<32x128xi32>
        %get3A_365 = arith.index_cast %mul3A_141 : i32 to index
        %get3A_366 = arith.constant 1792 : index
        %get3A_367 = vector.load %arg5[%get3A_365, %get3A_366] : memref<256x4096xf32, #tpu.memory_space<vmem>>, vector<32x128xf32>
        %jit3A_368 = arith.constant 1.000000e+07 : f32
        %broadcast_in_dim3A_369 = vector.broadcast %jit3A_368 : f32 to vector<32x128xf32>
        %select_n3A_370 = arith.select %ge3A_364, %get3A_367, %broadcast_in_dim3A_369 : vector<32x128xi1>, vector<32x128xf32>
        %min3A_371 = arith.minimumf %min3A_352, %select_n3A_370 : vector<32x128xf32>
        %max3A_372 = arith.maximumf %min3A_352, %select_n3A_370 : vector<32x128xf32>
        %min3A_373 = arith.minimumf %min3A_354, %max3A_372 : vector<32x128xf32>
        %max3A_374 = arith.maximumf %min3A_354, %max3A_372 : vector<32x128xf32>
        %min3A_375 = arith.minimumf %min3A_356, %max3A_374 : vector<32x128xf32>
        %max3A_376 = arith.maximumf %min3A_356, %max3A_374 : vector<32x128xf32>
        %min3A_377 = arith.minimumf %min3A_358, %max3A_376 : vector<32x128xf32>
        %iota3A_378 = tpu.iota {dimensions = array<i32: 1>} : vector<32x128xi32>
        %add3A_379 = arith.constant 1920 : i32
        %add3A_380 = vector.broadcast %add3A_379 : i32 to vector<32x128xi32>
        %add3A_381 = arith.addi %add3A_380, %iota3A_378 : vector<32x128xi32>
        %ge3A_382 = vector.broadcast %get3A_0 : i32 to vector<32x128xi32>
        %ge3A_383 = arith.cmpi sge, %add3A_381, %ge3A_382 : vector<32x128xi32>
        %get3A_384 = arith.index_cast %mul3A_141 : i32 to index
        %get3A_385 = arith.constant 1920 : index
        %get3A_386 = vector.load %arg5[%get3A_384, %get3A_385] : memref<256x4096xf32, #tpu.memory_space<vmem>>, vector<32x128xf32>
        %jit3A_387 = arith.constant 1.000000e+07 : f32
        %broadcast_in_dim3A_388 = vector.broadcast %jit3A_387 : f32 to vector<32x128xf32>
        %select_n3A_389 = arith.select %ge3A_383, %get3A_386, %broadcast_in_dim3A_388 : vector<32x128xi1>, vector<32x128xf32>
        %min3A_390 = arith.minimumf %min3A_371, %select_n3A_389 : vector<32x128xf32>
        %max3A_391 = arith.maximumf %min3A_371, %select_n3A_389 : vector<32x128xf32>
        %min3A_392 = arith.minimumf %min3A_373, %max3A_391 : vector<32x128xf32>
        %max3A_393 = arith.maximumf %min3A_373, %max3A_391 : vector<32x128xf32>
        %min3A_394 = arith.minimumf %min3A_375, %max3A_393 : vector<32x128xf32>
        %max3A_395 = arith.maximumf %min3A_375, %max3A_393 : vector<32x128xf32>
        %min3A_396 = arith.minimumf %min3A_377, %max3A_395 : vector<32x128xf32>
        %iota3A_397 = tpu.iota {dimensions = array<i32: 1>} : vector<32x128xi32>
        %add3A_398 = arith.constant 2048 : i32
        %add3A_399 = vector.broadcast %add3A_398 : i32 to vector<32x128xi32>
        %add3A_400 = arith.addi %add3A_399, %iota3A_397 : vector<32x128xi32>
        %ge3A_401 = vector.broadcast %get3A_0 : i32 to vector<32x128xi32>
        %ge3A_402 = arith.cmpi sge, %add3A_400, %ge3A_401 : vector<32x128xi32>
        %get3A_403 = arith.index_cast %mul3A_141 : i32 to index
        %get3A_404 = arith.constant 2048 : index
        %get3A_405 = vector.load %arg5[%get3A_403, %get3A_404] : memref<256x4096xf32, #tpu.memory_space<vmem>>, vector<32x128xf32>
        %jit3A_406 = arith.constant 1.000000e+07 : f32
        %broadcast_in_dim3A_407 = vector.broadcast %jit3A_406 : f32 to vector<32x128xf32>
        %select_n3A_408 = arith.select %ge3A_402, %get3A_405, %broadcast_in_dim3A_407 : vector<32x128xi1>, vector<32x128xf32>
        %min3A_409 = arith.minimumf %min3A_390, %select_n3A_408 : vector<32x128xf32>
        %max3A_410 = arith.maximumf %min3A_390, %select_n3A_408 : vector<32x128xf32>
        %min3A_411 = arith.minimumf %min3A_392, %max3A_410 : vector<32x128xf32>
        %max3A_412 = arith.maximumf %min3A_392, %max3A_410 : vector<32x128xf32>
        %min3A_413 = arith.minimumf %min3A_394, %max3A_412 : vector<32x128xf32>
        %max3A_414 = arith.maximumf %min3A_394, %max3A_412 : vector<32x128xf32>
        %min3A_415 = arith.minimumf %min3A_396, %max3A_414 : vector<32x128xf32>
        %iota3A_416 = tpu.iota {dimensions = array<i32: 1>} : vector<32x128xi32>
        %add3A_417 = arith.constant 2176 : i32
        %add3A_418 = vector.broadcast %add3A_417 : i32 to vector<32x128xi32>
        %add3A_419 = arith.addi %add3A_418, %iota3A_416 : vector<32x128xi32>
        %ge3A_420 = vector.broadcast %get3A_0 : i32 to vector<32x128xi32>
        %ge3A_421 = arith.cmpi sge, %add3A_419, %ge3A_420 : vector<32x128xi32>
        %get3A_422 = arith.index_cast %mul3A_141 : i32 to index
        %get3A_423 = arith.constant 2176 : index
        %get3A_424 = vector.load %arg5[%get3A_422, %get3A_423] : memref<256x4096xf32, #tpu.memory_space<vmem>>, vector<32x128xf32>
        %jit3A_425 = arith.constant 1.000000e+07 : f32
        %broadcast_in_dim3A_426 = vector.broadcast %jit3A_425 : f32 to vector<32x128xf32>
        %select_n3A_427 = arith.select %ge3A_421, %get3A_424, %broadcast_in_dim3A_426 : vector<32x128xi1>, vector<32x128xf32>
        %min3A_428 = arith.minimumf %min3A_409, %select_n3A_427 : vector<32x128xf32>
        %max3A_429 = arith.maximumf %min3A_409, %select_n3A_427 : vector<32x128xf32>
        %min3A_430 = arith.minimumf %min3A_411, %max3A_429 : vector<32x128xf32>
        %max3A_431 = arith.maximumf %min3A_411, %max3A_429 : vector<32x128xf32>
        %min3A_432 = arith.minimumf %min3A_413, %max3A_431 : vector<32x128xf32>
        %max3A_433 = arith.maximumf %min3A_413, %max3A_431 : vector<32x128xf32>
        %min3A_434 = arith.minimumf %min3A_415, %max3A_433 : vector<32x128xf32>
        %iota3A_435 = tpu.iota {dimensions = array<i32: 1>} : vector<32x128xi32>
        %add3A_436 = arith.constant 2304 : i32
        %add3A_437 = vector.broadcast %add3A_436 : i32 to vector<32x128xi32>
        %add3A_438 = arith.addi %add3A_437, %iota3A_435 : vector<32x128xi32>
        %ge3A_439 = vector.broadcast %get3A_0 : i32 to vector<32x128xi32>
        %ge3A_440 = arith.cmpi sge, %add3A_438, %ge3A_439 : vector<32x128xi32>
        %get3A_441 = arith.index_cast %mul3A_141 : i32 to index
        %get3A_442 = arith.constant 2304 : index
        %get3A_443 = vector.load %arg5[%get3A_441, %get3A_442] : memref<256x4096xf32, #tpu.memory_space<vmem>>, vector<32x128xf32>
        %jit3A_444 = arith.constant 1.000000e+07 : f32
        %broadcast_in_dim3A_445 = vector.broadcast %jit3A_444 : f32 to vector<32x128xf32>
        %select_n3A_446 = arith.select %ge3A_440, %get3A_443, %broadcast_in_dim3A_445 : vector<32x128xi1>, vector<32x128xf32>
        %min3A_447 = arith.minimumf %min3A_428, %select_n3A_446 : vector<32x128xf32>
        %max3A_448 = arith.maximumf %min3A_428, %select_n3A_446 : vector<32x128xf32>
        %min3A_449 = arith.minimumf %min3A_430, %max3A_448 : vector<32x128xf32>
        %max3A_450 = arith.maximumf %min3A_430, %max3A_448 : vector<32x128xf32>
        %min3A_451 = arith.minimumf %min3A_432, %max3A_450 : vector<32x128xf32>
        %max3A_452 = arith.maximumf %min3A_432, %max3A_450 : vector<32x128xf32>
        %min3A_453 = arith.minimumf %min3A_434, %max3A_452 : vector<32x128xf32>
        %iota3A_454 = tpu.iota {dimensions = array<i32: 1>} : vector<32x128xi32>
        %add3A_455 = arith.constant 2432 : i32
        %add3A_456 = vector.broadcast %add3A_455 : i32 to vector<32x128xi32>
        %add3A_457 = arith.addi %add3A_456, %iota3A_454 : vector<32x128xi32>
        %ge3A_458 = vector.broadcast %get3A_0 : i32 to vector<32x128xi32>
        %ge3A_459 = arith.cmpi sge, %add3A_457, %ge3A_458 : vector<32x128xi32>
        %get3A_460 = arith.index_cast %mul3A_141 : i32 to index
        %get3A_461 = arith.constant 2432 : index
        %get3A_462 = vector.load %arg5[%get3A_460, %get3A_461] : memref<256x4096xf32, #tpu.memory_space<vmem>>, vector<32x128xf32>
        %jit3A_463 = arith.constant 1.000000e+07 : f32
        %broadcast_in_dim3A_464 = vector.broadcast %jit3A_463 : f32 to vector<32x128xf32>
        %select_n3A_465 = arith.select %ge3A_459, %get3A_462, %broadcast_in_dim3A_464 : vector<32x128xi1>, vector<32x128xf32>
        %min3A_466 = arith.minimumf %min3A_447, %select_n3A_465 : vector<32x128xf32>
        %max3A_467 = arith.maximumf %min3A_447, %select_n3A_465 : vector<32x128xf32>
        %min3A_468 = arith.minimumf %min3A_449, %max3A_467 : vector<32x128xf32>
        %max3A_469 = arith.maximumf %min3A_449, %max3A_467 : vector<32x128xf32>
        %min3A_470 = arith.minimumf %min3A_451, %max3A_469 : vector<32x128xf32>
        %max3A_471 = arith.maximumf %min3A_451, %max3A_469 : vector<32x128xf32>
        %min3A_472 = arith.minimumf %min3A_453, %max3A_471 : vector<32x128xf32>
        %concatenate3A = tpu.concatenate %min3A_466, %min3A_468, %min3A_470, %min3A_472 in 1 : vector<32x128xf32>, vector<32x128xf32>, vector<32x128xf32>, vector<32x128xf32> -> vector<32x512xf32>
        %broadcast_in_dim3A_473 = arith.constant 4 : i32
        %broadcast_in_dim3A_474 = vector.broadcast %broadcast_in_dim3A_473 : i32 to vector<32x1xi32>
        %broadcast_in_dim3A_475 = arith.constant 0.000000e+00 : f32
        %broadcast_in_dim3A_476 = vector.broadcast %broadcast_in_dim3A_475 : f32 to vector<32x1xf32>
        %reduce_min3A = arith.constant dense<0x7F800000> : vector<32xf32>
        %reduce_min3A_477 = vector.multi_reduction <minimumf>, %concatenate3A, %reduce_min3A [1] : vector<32x512xf32> to vector<32xf32>
        %broadcast_in_dim3A_478 = vector.shape_cast %reduce_min3A_477 : vector<32xf32> to vector<32x1xf32>
        %eq3A_479 = vector.broadcast %broadcast_in_dim3A_478 : vector<32x1xf32> to vector<32x512xf32>
        %eq3A_480 = arith.cmpf oeq, %concatenate3A, %eq3A_479 : vector<32x512xf32>
        %convert_element_type3A_481 = arith.extui %eq3A_480 : vector<32x512xi1> to vector<32x512xi32>
        %reduce_sum3A_482 = arith.constant dense<0> : vector<32xi32>
        %reduce_sum3A_483 = vector.multi_reduction <add>, %convert_element_type3A_481, %reduce_sum3A_482 [1] : vector<32x512xi32> to vector<32xi32>
        %broadcast_in_dim3A_484 = vector.shape_cast %reduce_sum3A_483 : vector<32xi32> to vector<32x1xi32>
        %gt3A = arith.constant 0 : i32
        %gt3A_485 = vector.broadcast %gt3A : i32 to vector<32x1xi32>
        %gt3A_486 = arith.cmpi sgt, %broadcast_in_dim3A_474, %gt3A_485 : vector<32x1xi32>
        %select_n3A_487 = arith.select %gt3A_486, %broadcast_in_dim3A_478, %broadcast_in_dim3A_476 : vector<32x1xi1>, vector<32x1xf32>
        %sub3A_488 = arith.subi %broadcast_in_dim3A_474, %broadcast_in_dim3A_484 : vector<32x1xi32>
        %jit3A_489 = arith.constant 3.000000e+07 : f32
        %broadcast_in_dim3A_490 = vector.broadcast %jit3A_489 : f32 to vector<32x512xf32>
        %select_n3A_491 = arith.select %eq3A_480, %broadcast_in_dim3A_490, %concatenate3A : vector<32x512xi1>, vector<32x512xf32>
        %reduce_min3A_492 = arith.constant dense<0x7F800000> : vector<32xf32>
        %reduce_min3A_493 = vector.multi_reduction <minimumf>, %select_n3A_491, %reduce_min3A_492 [1] : vector<32x512xf32> to vector<32xf32>
        %broadcast_in_dim3A_494 = vector.shape_cast %reduce_min3A_493 : vector<32xf32> to vector<32x1xf32>
        %eq3A_495 = vector.broadcast %broadcast_in_dim3A_494 : vector<32x1xf32> to vector<32x512xf32>
        %eq3A_496 = arith.cmpf oeq, %select_n3A_491, %eq3A_495 : vector<32x512xf32>
        %convert_element_type3A_497 = arith.extui %eq3A_496 : vector<32x512xi1> to vector<32x512xi32>
        %reduce_sum3A_498 = arith.constant dense<0> : vector<32xi32>
        %reduce_sum3A_499 = vector.multi_reduction <add>, %convert_element_type3A_497, %reduce_sum3A_498 [1] : vector<32x512xi32> to vector<32xi32>
        %broadcast_in_dim3A_500 = vector.shape_cast %reduce_sum3A_499 : vector<32xi32> to vector<32x1xi32>
        %gt3A_501 = arith.constant 0 : i32
        %gt3A_502 = vector.broadcast %gt3A_501 : i32 to vector<32x1xi32>
        %gt3A_503 = arith.cmpi sgt, %sub3A_488, %gt3A_502 : vector<32x1xi32>
        %select_n3A_504 = arith.select %gt3A_503, %broadcast_in_dim3A_494, %select_n3A_487 : vector<32x1xi1>, vector<32x1xf32>
        %sub3A_505 = arith.subi %sub3A_488, %broadcast_in_dim3A_500 : vector<32x1xi32>
        %jit3A_506 = arith.constant 3.000000e+07 : f32
        %broadcast_in_dim3A_507 = vector.broadcast %jit3A_506 : f32 to vector<32x512xf32>
        %select_n3A_508 = arith.select %eq3A_496, %broadcast_in_dim3A_507, %select_n3A_491 : vector<32x512xi1>, vector<32x512xf32>
        %reduce_min3A_509 = arith.constant dense<0x7F800000> : vector<32xf32>
        %reduce_min3A_510 = vector.multi_reduction <minimumf>, %select_n3A_508, %reduce_min3A_509 [1] : vector<32x512xf32> to vector<32xf32>
        %broadcast_in_dim3A_511 = vector.shape_cast %reduce_min3A_510 : vector<32xf32> to vector<32x1xf32>
        %eq3A_512 = vector.broadcast %broadcast_in_dim3A_511 : vector<32x1xf32> to vector<32x512xf32>
        %eq3A_513 = arith.cmpf oeq, %select_n3A_508, %eq3A_512 : vector<32x512xf32>
        %convert_element_type3A_514 = arith.extui %eq3A_513 : vector<32x512xi1> to vector<32x512xi32>
        %reduce_sum3A_515 = arith.constant dense<0> : vector<32xi32>
        %reduce_sum3A_516 = vector.multi_reduction <add>, %convert_element_type3A_514, %reduce_sum3A_515 [1] : vector<32x512xi32> to vector<32xi32>
        %broadcast_in_dim3A_517 = vector.shape_cast %reduce_sum3A_516 : vector<32xi32> to vector<32x1xi32>
        %gt3A_518 = arith.constant 0 : i32
        %gt3A_519 = vector.broadcast %gt3A_518 : i32 to vector<32x1xi32>
        %gt3A_520 = arith.cmpi sgt, %sub3A_505, %gt3A_519 : vector<32x1xi32>
        %select_n3A_521 = arith.select %gt3A_520, %broadcast_in_dim3A_511, %select_n3A_504 : vector<32x1xi1>, vector<32x1xf32>
        %sub3A_522 = arith.subi %sub3A_505, %broadcast_in_dim3A_517 : vector<32x1xi32>
        %jit3A_523 = arith.constant 3.000000e+07 : f32
        %broadcast_in_dim3A_524 = vector.broadcast %jit3A_523 : f32 to vector<32x512xf32>
        %select_n3A_525 = arith.select %eq3A_513, %broadcast_in_dim3A_524, %select_n3A_508 : vector<32x512xi1>, vector<32x512xf32>
        %reduce_min3A_526 = arith.constant dense<0x7F800000> : vector<32xf32>
        %reduce_min3A_527 = vector.multi_reduction <minimumf>, %select_n3A_525, %reduce_min3A_526 [1] : vector<32x512xf32> to vector<32xf32>
        %broadcast_in_dim3A_528 = vector.shape_cast %reduce_min3A_527 : vector<32xf32> to vector<32x1xf32>
        %gt3A_529 = arith.constant 0 : i32
        %gt3A_530 = vector.broadcast %gt3A_529 : i32 to vector<32x1xi32>
        %gt3A_531 = arith.cmpi sgt, %sub3A_522, %gt3A_530 : vector<32x1xi32>
        %select_n3A_532 = arith.select %gt3A_531, %broadcast_in_dim3A_528, %select_n3A_521 : vector<32x1xi1>, vector<32x1xf32>
        %swap3A_533 = arith.index_cast %mul3A_141 : i32 to index
        %swap3A_534 = arith.constant 0 : index
        %swap3A_535 = vector.load %arg6[%swap3A_533, %swap3A_534] : memref<256x1xf32, #tpu.memory_space<vmem>>, vector<32x1xf32>
        tpu.vector_store %arg6[%swap3A_533, %swap3A_534], %select_n3A_532 {strides = array<i32>} : memref<256x1xf32, #tpu.memory_space<vmem>>, vector<32x1xf32>,
      } else {
      }
      %or3A = arith.ori %and3A_145, %and3A_147 : i1
      %not3A = arith.constant true
      %not3A_154 = arith.xori %or3A, %not3A : i1
      %convert_element_type3A_155 = arith.extui %not3A_154 : i1 to i32
      %cond3A_156 = arith.constant 0 : i32
      %cond3A_157 = arith.cmpi ne, %convert_element_type3A_155, %cond3A_156 : i32
      scf.if %cond3A_157 {
        %iota3A_158 = tpu.iota {dimensions = array<i32: 0>} : vector<32x1xi32>
        %add3A_159 = vector.broadcast %add3A_139 : i32 to vector<32x1xi32>
        %add3A_160 = arith.addi %add3A_159, %iota3A_158 : vector<32x1xi32>
        %lt3A = vector.broadcast %get3A_0 : i32 to vector<32x1xi32>
        %lt3A_161 = arith.cmpi slt, %add3A_160, %lt3A : vector<32x1xi32>
        %broadcast_in_dim3A_162 = arith.constant 3.000000e+07 : f32
        %broadcast_in_dim3A_163 = vector.broadcast %broadcast_in_dim3A_162 : f32 to vector<32x128xf32>
        %broadcast_in_dim3A_164 = arith.constant 3.000000e+07 : f32
        %broadcast_in_dim3A_165 = vector.broadcast %broadcast_in_dim3A_164 : f32 to vector<32x128xf32>
        %broadcast_in_dim3A_166 = arith.constant 3.000000e+07 : f32
        %broadcast_in_dim3A_167 = vector.broadcast %broadcast_in_dim3A_166 : f32 to vector<32x128xf32>
        %broadcast_in_dim3A_168 = arith.constant 3.000000e+07 : f32
        %broadcast_in_dim3A_169 = vector.broadcast %broadcast_in_dim3A_168 : f32 to vector<32x128xf32>
        %scan3A_170 = arith.constant 0 : i32
        %mul3A_171 = arith.constant 128 : i32
        %mul3A_172 = arith.muli %scan3A_170, %mul3A_171 : i32
        %iota3A_173 = tpu.iota {dimensions = array<i32: 1>} : vector<32x128xi32>
        %add3A_174 = vector.broadcast %mul3A_172 : i32 to vector<32x128xi32>
        %add3A_175 = arith.addi %add3A_174, %iota3A_173 : vector<32x128xi32>
        %lt3A_176 = vector.broadcast %get3A_0 : i32 to vector<32x128xi32>
        %lt3A_177 = arith.cmpi slt, %add3A_175, %lt3A_176 : vector<32x128xi32>
        %eq3A_178 = vector.broadcast %lt3A_161 : vector<32x1xi1> to vector<32x128xi1>
        %eq3A_179 = vector.broadcast %eq3A_178 : vector<32x128xi1> to vector<32x128xi1>
        %eq3A_180 = arith.xori %eq3A_179, %lt3A_177 : vector<32x128xi1>
        %eq3A_181 = arith.constant dense<true> : vector<32x128xi1>
        %eq3A_182 = arith.xori %eq3A_180, %eq3A_181 : vector<32x128xi1>
        %mul3A_183 = arith.constant 128 : i32
        %mul3A_184 = arith.muli %scan3A_170, %mul3A_183 : i32
        %get3A_185 = arith.index_cast %mul3A_141 : i32 to index
        %get3A_186 = arith.index_cast %mul3A_184 : i32 to index
        %get3A_187 = vector.load %arg5[%get3A_185, %get3A_186] : memref<256x4096xf32, #tpu.memory_space<vmem>>, vector<32x128xf32>
        %jit3A_188 = arith.constant 1.000000e+07 : f32
        %broadcast_in_dim3A_189 = vector.broadcast %jit3A_188 : f32 to vector<32x128xf32>
        %select_n3A_190 = arith.select %eq3A_182, %get3A_187, %broadcast_in_dim3A_189 : vector<32x128xi1>, vector<32x128xf32>
        %min3A = arith.minimumf %broadcast_in_dim3A_163, %select_n3A_190 : vector<32x128xf32>
        %max3A = arith.maximumf %broadcast_in_dim3A_163, %select_n3A_190 : vector<32x128xf32>
        %min3A_191 = arith.minimumf %broadcast_in_dim3A_165, %max3A : vector<32x128xf32>
        %max3A_192 = arith.maximumf %broadcast_in_dim3A_165, %max3A : vector<32x128xf32>
        %min3A_193 = arith.minimumf %broadcast_in_dim3A_167, %max3A_192 : vector<32x128xf32>
        %max3A_194 = arith.maximumf %broadcast_in_dim3A_167, %max3A_192 : vector<32x128xf32>
        %min3A_195 = arith.minimumf %broadcast_in_dim3A_169, %max3A_194 : vector<32x128xf32>
        %scan3A_196 = arith.constant 1 : i32
        %mul3A_197 = arith.constant 128 : i32
        %mul3A_198 = arith.muli %scan3A_196, %mul3A_197 : i32
        %iota3A_199 = tpu.iota {dimensions = array<i32: 1>} : vector<32x128xi32>
        %add3A_200 = vector.broadcast %mul3A_198 : i32 to vector<32x128xi32>
        %add3A_201 = arith.addi %add3A_200, %iota3A_199 : vector<32x128xi32>
        %lt3A_202 = vector.broadcast %get3A_0 : i32 to vector<32x128xi32>
        %lt3A_203 = arith.cmpi slt, %add3A_201, %lt3A_202 : vector<32x128xi32>
        %eq3A_204 = vector.broadcast %lt3A_161 : vector<32x1xi1> to vector<32x128xi1>
        %eq3A_205 = vector.broadcast %eq3A_204 : vector<32x128xi1> to vector<32x128xi1>
        %eq3A_206 = arith.xori %eq3A_205, %lt3A_203 : vector<32x128xi1>
        %eq3A_207 = arith.constant dense<true> : vector<32x128xi1>
        %eq3A_208 = arith.xori %eq3A_206, %eq3A_207 : vector<32x128xi1>
        %mul3A_209 = arith.constant 128 : i32
        %mul3A_210 = arith.muli %scan3A_196, %mul3A_209 : i32
        %get3A_211 = arith.index_cast %mul3A_141 : i32 to index
        %get3A_212 = arith.index_cast %mul3A_210 : i32 to index
        %get3A_213 = vector.load %arg5[%get3A_211, %get3A_212] : memref<256x4096xf32, #tpu.memory_space<vmem>>, vector<32x128xf32>
        %jit3A_214 = arith.constant 1.000000e+07 : f32
        %broadcast_in_dim3A_215 = vector.broadcast %jit3A_214 : f32 to vector<32x128xf32>
        %select_n3A_216 = arith.select %eq3A_208, %get3A_213, %broadcast_in_dim3A_215 : vector<32x128xi1>, vector<32x128xf32>
        %min3A_217 = arith.minimumf %min3A, %select_n3A_216 : vector<32x128xf32>
        %max3A_218 = arith.maximumf %min3A, %select_n3A_216 : vector<32x128xf32>
        %min3A_219 = arith.minimumf %min3A_191, %max3A_218 : vector<32x128xf32>
        %max3A_220 = arith.maximumf %min3A_191, %max3A_218 : vector<32x128xf32>
        %min3A_221 = arith.minimumf %min3A_193, %max3A_220 : vector<32x128xf32>
        %max3A_222 = arith.maximumf %min3A_193, %max3A_220 : vector<32x128xf32>
        %min3A_223 = arith.minimumf %min3A_195, %max3A_222 : vector<32x128xf32>
        %scan3A_224 = arith.constant 2 : i32
        %mul3A_225 = arith.constant 128 : i32
        %mul3A_226 = arith.muli %scan3A_224, %mul3A_225 : i32
        %iota3A_227 = tpu.iota {dimensions = array<i32: 1>} : vector<32x128xi32>
        %add3A_228 = vector.broadcast %mul3A_226 : i32 to vector<32x128xi32>
        %add3A_229 = arith.addi %add3A_228, %iota3A_227 : vector<32x128xi32>
        %lt3A_230 = vector.broadcast %get3A_0 : i32 to vector<32x128xi32>
        %lt3A_231 = arith.cmpi slt, %add3A_229, %lt3A_230 : vector<32x128xi32>
        %eq3A_232 = vector.broadcast %lt3A_161 : vector<32x1xi1> to vector<32x128xi1>
        %eq3A_233 = vector.broadcast %eq3A_232 : vector<32x128xi1> to vector<32x128xi1>
        %eq3A_234 = arith.xori %eq3A_233, %lt3A_231 : vector<32x128xi1>
        %eq3A_235 = arith.constant dense<true> : vector<32x128xi1>
        %eq3A_236 = arith.xori %eq3A_234, %eq3A_235 : vector<32x128xi1>
        %mul3A_237 = arith.constant 128 : i32
        %mul3A_238 = arith.muli %scan3A_224, %mul3A_237 : i32
        %get3A_239 = arith.index_cast %mul3A_141 : i32 to index
        %get3A_240 = arith.index_cast %mul3A_238 : i32 to index
        %get3A_241 = vector.load %arg5[%get3A_239, %get3A_240] : memref<256x4096xf32, #tpu.memory_space<vmem>>, vector<32x128xf32>
        %jit3A_242 = arith.constant 1.000000e+07 : f32
        %broadcast_in_dim3A_243 = vector.broadcast %jit3A_242 : f32 to vector<32x128xf32>
        %select_n3A_244 = arith.select %eq3A_236, %get3A_241, %broadcast_in_dim3A_243 : vector<32x128xi1>, vector<32x128xf32>
        %min3A_245 = arith.minimumf %min3A_217, %select_n3A_244 : vector<32x128xf32>
        %max3A_246 = arith.maximumf %min3A_217, %select_n3A_244 : vector<32x128xf32>
        %min3A_247 = arith.minimumf %min3A_219, %max3A_246 : vector<32x128xf32>
        %max3A_248 = arith.maximumf %min3A_219, %max3A_246 : vector<32x128xf32>
        %min3A_249 = arith.minimumf %min3A_221, %max3A_248 : vector<32x128xf32>
        %max3A_250 = arith.maximumf %min3A_221, %max3A_248 : vector<32x128xf32>
        %min3A_251 = arith.minimumf %min3A_223, %max3A_250 : vector<32x128xf32>
        %scan3A_252 = arith.constant 3 : i32
        %mul3A_253 = arith.constant 128 : i32
        %mul3A_254 = arith.muli %scan3A_252, %mul3A_253 : i32
        %iota3A_255 = tpu.iota {dimensions = array<i32: 1>} : vector<32x128xi32>
        %add3A_256 = vector.broadcast %mul3A_254 : i32 to vector<32x128xi32>
        %add3A_257 = arith.addi %add3A_256, %iota3A_255 : vector<32x128xi32>
        %lt3A_258 = vector.broadcast %get3A_0 : i32 to vector<32x128xi32>
        %lt3A_259 = arith.cmpi slt, %add3A_257, %lt3A_258 : vector<32x128xi32>
        %eq3A_260 = vector.broadcast %lt3A_161 : vector<32x1xi1> to vector<32x128xi1>
        %eq3A_261 = vector.broadcast %eq3A_260 : vector<32x128xi1> to vector<32x128xi1>
        %eq3A_262 = arith.xori %eq3A_261, %lt3A_259 : vector<32x128xi1>
        %eq3A_263 = arith.constant dense<true> : vector<32x128xi1>
        %eq3A_264 = arith.xori %eq3A_262, %eq3A_263 : vector<32x128xi1>
        %mul3A_265 = arith.constant 128 : i32
        %mul3A_266 = arith.muli %scan3A_252, %mul3A_265 : i32
        %get3A_267 = arith.index_cast %mul3A_141 : i32 to index
        %get3A_268 = arith.index_cast %mul3A_266 : i32 to index
        %get3A_269 = vector.load %arg5[%get3A_267, %get3A_268] : memref<256x4096xf32, #tpu.memory_space<vmem>>, vector<32x128xf32>
        %jit3A_270 = arith.constant 1.000000e+07 : f32
        %broadcast_in_dim3A_271 = vector.broadcast %jit3A_270 : f32 to vector<32x128xf32>
        %select_n3A_272 = arith.select %eq3A_264, %get3A_269, %broadcast_in_dim3A_271 : vector<32x128xi1>, vector<32x128xf32>
        %min3A_273 = arith.minimumf %min3A_245, %select_n3A_272 : vector<32x128xf32>
        %max3A_274 = arith.maximumf %min3A_245, %select_n3A_272 : vector<32x128xf32>
        %min3A_275 = arith.minimumf %min3A_247, %max3A_274 : vector<32x128xf32>
        %max3A_276 = arith.maximumf %min3A_247, %max3A_274 : vector<32x128xf32>
        %min3A_277 = arith.minimumf %min3A_249, %max3A_276 : vector<32x128xf32>
        %max3A_278 = arith.maximumf %min3A_249, %max3A_276 : vector<32x128xf32>
        %min3A_279 = arith.minimumf %min3A_251, %max3A_278 : vector<32x128xf32>
        %scan3A_280 = arith.constant 4 : i32
        %mul3A_281 = arith.constant 128 : i32
        %mul3A_282 = arith.muli %scan3A_280, %mul3A_281 : i32
        %iota3A_283 = tpu.iota {dimensions = array<i32: 1>} : vector<32x128xi32>
        %add3A_284 = vector.broadcast %mul3A_282 : i32 to vector<32x128xi32>
        %add3A_285 = arith.addi %add3A_284, %iota3A_283 : vector<32x128xi32>
        %lt3A_286 = vector.broadcast %get3A_0 : i32 to vector<32x128xi32>
        %lt3A_287 = arith.cmpi slt, %add3A_285, %lt3A_286 : vector<32x128xi32>
        %eq3A_288 = vector.broadcast %lt3A_161 : vector<32x1xi1> to vector<32x128xi1>
        %eq3A_289 = vector.broadcast %eq3A_288 : vector<32x128xi1> to vector<32x128xi1>
        %eq3A_290 = arith.xori %eq3A_289, %lt3A_287 : vector<32x128xi1>
        %eq3A_291 = arith.constant dense<true> : vector<32x128xi1>
        %eq3A_292 = arith.xori %eq3A_290, %eq3A_291 : vector<32x128xi1>
        %mul3A_293 = arith.constant 128 : i32
        %mul3A_294 = arith.muli %scan3A_280, %mul3A_293 : i32
        %get3A_295 = arith.index_cast %mul3A_141 : i32 to index
        %get3A_296 = arith.index_cast %mul3A_294 : i32 to index
        %get3A_297 = vector.load %arg5[%get3A_295, %get3A_296] : memref<256x4096xf32, #tpu.memory_space<vmem>>, vector<32x128xf32>
        %jit3A_298 = arith.constant 1.000000e+07 : f32
        %broadcast_in_dim3A_299 = vector.broadcast %jit3A_298 : f32 to vector<32x128xf32>
        %select_n3A_300 = arith.select %eq3A_292, %get3A_297, %broadcast_in_dim3A_299 : vector<32x128xi1>, vector<32x128xf32>
        %min3A_301 = arith.minimumf %min3A_273, %select_n3A_300 : vector<32x128xf32>
        %max3A_302 = arith.maximumf %min3A_273, %select_n3A_300 : vector<32x128xf32>
        %min3A_303 = arith.minimumf %min3A_275, %max3A_302 : vector<32x128xf32>
        %max3A_304 = arith.maximumf %min3A_275, %max3A_302 : vector<32x128xf32>
        %min3A_305 = arith.minimumf %min3A_277, %max3A_304 : vector<32x128xf32>
        %max3A_306 = arith.maximumf %min3A_277, %max3A_304 : vector<32x128xf32>
        %min3A_307 = arith.minimumf %min3A_279, %max3A_306 : vector<32x128xf32>
        %scan3A_308 = arith.constant 5 : i32
        %mul3A_309 = arith.constant 128 : i32
        %mul3A_310 = arith.muli %scan3A_308, %mul3A_309 : i32
        %iota3A_311 = tpu.iota {dimensions = array<i32: 1>} : vector<32x128xi32>
        %add3A_312 = vector.broadcast %mul3A_310 : i32 to vector<32x128xi32>
        %add3A_313 = arith.addi %add3A_312, %iota3A_311 : vector<32x128xi32>
        %lt3A_314 = vector.broadcast %get3A_0 : i32 to vector<32x128xi32>
        %lt3A_315 = arith.cmpi slt, %add3A_313, %lt3A_314 : vector<32x128xi32>
        %eq3A_316 = vector.broadcast %lt3A_161 : vector<32x1xi1> to vector<32x128xi1>
        %eq3A_317 = vector.broadcast %eq3A_316 : vector<32x128xi1> to vector<32x128xi1>
        %eq3A_318 = arith.xori %eq3A_317, %lt3A_315 : vector<32x128xi1>
        %eq3A_319 = arith.constant dense<true> : vector<32x128xi1>
        %eq3A_320 = arith.xori %eq3A_318, %eq3A_319 : vector<32x128xi1>
        %mul3A_321 = arith.constant 128 : i32
        %mul3A_322 = arith.muli %scan3A_308, %mul3A_321 : i32
        %get3A_323 = arith.index_cast %mul3A_141 : i32 to index
        %get3A_324 = arith.index_cast %mul3A_322 : i32 to index
        %get3A_325 = vector.load %arg5[%get3A_323, %get3A_324] : memref<256x4096xf32, #tpu.memory_space<vmem>>, vector<32x128xf32>
        %jit3A_326 = arith.constant 1.000000e+07 : f32
        %broadcast_in_dim3A_327 = vector.broadcast %jit3A_326 : f32 to vector<32x128xf32>
        %select_n3A_328 = arith.select %eq3A_320, %get3A_325, %broadcast_in_dim3A_327 : vector<32x128xi1>, vector<32x128xf32>
        %min3A_329 = arith.minimumf %min3A_301, %select_n3A_328 : vector<32x128xf32>
        %max3A_330 = arith.maximumf %min3A_301, %select_n3A_328 : vector<32x128xf32>
        %min3A_331 = arith.minimumf %min3A_303, %max3A_330 : vector<32x128xf32>
        %max3A_332 = arith.maximumf %min3A_303, %max3A_330 : vector<32x128xf32>
        %min3A_333 = arith.minimumf %min3A_305, %max3A_332 : vector<32x128xf32>
        %max3A_334 = arith.maximumf %min3A_305, %max3A_332 : vector<32x128xf32>
        %min3A_335 = arith.minimumf %min3A_307, %max3A_334 : vector<32x128xf32>
        %scan3A_336 = arith.constant 6 : i32
        %mul3A_337 = arith.constant 128 : i32
        %mul3A_338 = arith.muli %scan3A_336, %mul3A_337 : i32
        %iota3A_339 = tpu.iota {dimensions = array<i32: 1>} : vector<32x128xi32>
        %add3A_340 = vector.broadcast %mul3A_338 : i32 to vector<32x128xi32>
        %add3A_341 = arith.addi %add3A_340, %iota3A_339 : vector<32x128xi32>
        %lt3A_342 = vector.broadcast %get3A_0 : i32 to vector<32x128xi32>
        %lt3A_343 = arith.cmpi slt, %add3A_341, %lt3A_342 : vector<32x128xi32>
        %eq3A_344 = vector.broadcast %lt3A_161 : vector<32x1xi1> to vector<32x128xi1>
        %eq3A_345 = vector.broadcast %eq3A_344 : vector<32x128xi1> to vector<32x128xi1>
        %eq3A_346 = arith.xori %eq3A_345, %lt3A_343 : vector<32x128xi1>
        %eq3A_347 = arith.constant dense<true> : vector<32x128xi1>
        %eq3A_348 = arith.xori %eq3A_346, %eq3A_347 : vector<32x128xi1>
        %mul3A_349 = arith.constant 128 : i32
        %mul3A_350 = arith.muli %scan3A_336, %mul3A_349 : i32
        %get3A_351 = arith.index_cast %mul3A_141 : i32 to index
        %get3A_352 = arith.index_cast %mul3A_350 : i32 to index
        %get3A_353 = vector.load %arg5[%get3A_351, %get3A_352] : memref<256x4096xf32, #tpu.memory_space<vmem>>, vector<32x128xf32>
        %jit3A_354 = arith.constant 1.000000e+07 : f32
        %broadcast_in_dim3A_355 = vector.broadcast %jit3A_354 : f32 to vector<32x128xf32>
        %select_n3A_356 = arith.select %eq3A_348, %get3A_353, %broadcast_in_dim3A_355 : vector<32x128xi1>, vector<32x128xf32>
        %min3A_357 = arith.minimumf %min3A_329, %select_n3A_356 : vector<32x128xf32>
        %max3A_358 = arith.maximumf %min3A_329, %select_n3A_356 : vector<32x128xf32>
        %min3A_359 = arith.minimumf %min3A_331, %max3A_358 : vector<32x128xf32>
        %max3A_360 = arith.maximumf %min3A_331, %max3A_358 : vector<32x128xf32>
        %min3A_361 = arith.minimumf %min3A_333, %max3A_360 : vector<32x128xf32>
        %max3A_362 = arith.maximumf %min3A_333, %max3A_360 : vector<32x128xf32>
        %min3A_363 = arith.minimumf %min3A_335, %max3A_362 : vector<32x128xf32>
        %scan3A_364 = arith.constant 7 : i32
        %mul3A_365 = arith.constant 128 : i32
        %mul3A_366 = arith.muli %scan3A_364, %mul3A_365 : i32
        %iota3A_367 = tpu.iota {dimensions = array<i32: 1>} : vector<32x128xi32>
        %add3A_368 = vector.broadcast %mul3A_366 : i32 to vector<32x128xi32>
        %add3A_369 = arith.addi %add3A_368, %iota3A_367 : vector<32x128xi32>
        %lt3A_370 = vector.broadcast %get3A_0 : i32 to vector<32x128xi32>
        %lt3A_371 = arith.cmpi slt, %add3A_369, %lt3A_370 : vector<32x128xi32>
        %eq3A_372 = vector.broadcast %lt3A_161 : vector<32x1xi1> to vector<32x128xi1>
        %eq3A_373 = vector.broadcast %eq3A_372 : vector<32x128xi1> to vector<32x128xi1>
        %eq3A_374 = arith.xori %eq3A_373, %lt3A_371 : vector<32x128xi1>
        %eq3A_375 = arith.constant dense<true> : vector<32x128xi1>
        %eq3A_376 = arith.xori %eq3A_374, %eq3A_375 : vector<32x128xi1>
        %mul3A_377 = arith.constant 128 : i32
        %mul3A_378 = arith.muli %scan3A_364, %mul3A_377 : i32
        %get3A_379 = arith.index_cast %mul3A_141 : i32 to index
        %get3A_380 = arith.index_cast %mul3A_378 : i32 to index
        %get3A_381 = vector.load %arg5[%get3A_379, %get3A_380] : memref<256x4096xf32, #tpu.memory_space<vmem>>, vector<32x128xf32>
        %jit3A_382 = arith.constant 1.000000e+07 : f32
        %broadcast_in_dim3A_383 = vector.broadcast %jit3A_382 : f32 to vector<32x128xf32>
        %select_n3A_384 = arith.select %eq3A_376, %get3A_381, %broadcast_in_dim3A_383 : vector<32x128xi1>, vector<32x128xf32>
        %min3A_385 = arith.minimumf %min3A_357, %select_n3A_384 : vector<32x128xf32>
        %max3A_386 = arith.maximumf %min3A_357, %select_n3A_384 : vector<32x128xf32>
        %min3A_387 = arith.minimumf %min3A_359, %max3A_386 : vector<32x128xf32>
        %max3A_388 = arith.maximumf %min3A_359, %max3A_386 : vector<32x128xf32>
        %min3A_389 = arith.minimumf %min3A_361, %max3A_388 : vector<32x128xf32>
        %max3A_390 = arith.maximumf %min3A_361, %max3A_388 : vector<32x128xf32>
        %min3A_391 = arith.minimumf %min3A_363, %max3A_390 : vector<32x128xf32>
        %scan3A_392 = arith.constant 8 : i32
        %mul3A_393 = arith.constant 128 : i32
        %mul3A_394 = arith.muli %scan3A_392, %mul3A_393 : i32
        %iota3A_395 = tpu.iota {dimensions = array<i32: 1>} : vector<32x128xi32>
        %add3A_396 = vector.broadcast %mul3A_394 : i32 to vector<32x128xi32>
        %add3A_397 = arith.addi %add3A_396, %iota3A_395 : vector<32x128xi32>
        %lt3A_398 = vector.broadcast %get3A_0 : i32 to vector<32x128xi32>
        %lt3A_399 = arith.cmpi slt, %add3A_397, %lt3A_398 : vector<32x128xi32>
        %eq3A_400 = vector.broadcast %lt3A_161 : vector<32x1xi1> to vector<32x128xi1>
        %eq3A_401 = vector.broadcast %eq3A_400 : vector<32x128xi1> to vector<32x128xi1>
        %eq3A_402 = arith.xori %eq3A_401, %lt3A_399 : vector<32x128xi1>
        %eq3A_403 = arith.constant dense<true> : vector<32x128xi1>
        %eq3A_404 = arith.xori %eq3A_402, %eq3A_403 : vector<32x128xi1>
        %mul3A_405 = arith.constant 128 : i32
        %mul3A_406 = arith.muli %scan3A_392, %mul3A_405 : i32
        %get3A_407 = arith.index_cast %mul3A_141 : i32 to index
        %get3A_408 = arith.index_cast %mul3A_406 : i32 to index
        %get3A_409 = vector.load %arg5[%get3A_407, %get3A_408] : memref<256x4096xf32, #tpu.memory_space<vmem>>, vector<32x128xf32>
        %jit3A_410 = arith.constant 1.000000e+07 : f32
        %broadcast_in_dim3A_411 = vector.broadcast %jit3A_410 : f32 to vector<32x128xf32>
        %select_n3A_412 = arith.select %eq3A_404, %get3A_409, %broadcast_in_dim3A_411 : vector<32x128xi1>, vector<32x128xf32>
        %min3A_413 = arith.minimumf %min3A_385, %select_n3A_412 : vector<32x128xf32>
        %max3A_414 = arith.maximumf %min3A_385, %select_n3A_412 : vector<32x128xf32>
        %min3A_415 = arith.minimumf %min3A_387, %max3A_414 : vector<32x128xf32>
        %max3A_416 = arith.maximumf %min3A_387, %max3A_414 : vector<32x128xf32>
        %min3A_417 = arith.minimumf %min3A_389, %max3A_416 : vector<32x128xf32>
        %max3A_418 = arith.maximumf %min3A_389, %max3A_416 : vector<32x128xf32>
        %min3A_419 = arith.minimumf %min3A_391, %max3A_418 : vector<32x128xf32>
        %scan3A_420 = arith.constant 9 : i32
        %mul3A_421 = arith.constant 128 : i32
        %mul3A_422 = arith.muli %scan3A_420, %mul3A_421 : i32
        %iota3A_423 = tpu.iota {dimensions = array<i32: 1>} : vector<32x128xi32>
        %add3A_424 = vector.broadcast %mul3A_422 : i32 to vector<32x128xi32>
        %add3A_425 = arith.addi %add3A_424, %iota3A_423 : vector<32x128xi32>
        %lt3A_426 = vector.broadcast %get3A_0 : i32 to vector<32x128xi32>
        %lt3A_427 = arith.cmpi slt, %add3A_425, %lt3A_426 : vector<32x128xi32>
        %eq3A_428 = vector.broadcast %lt3A_161 : vector<32x1xi1> to vector<32x128xi1>
        %eq3A_429 = vector.broadcast %eq3A_428 : vector<32x128xi1> to vector<32x128xi1>
        %eq3A_430 = arith.xori %eq3A_429, %lt3A_427 : vector<32x128xi1>
        %eq3A_431 = arith.constant dense<true> : vector<32x128xi1>
        %eq3A_432 = arith.xori %eq3A_430, %eq3A_431 : vector<32x128xi1>
        %mul3A_433 = arith.constant 128 : i32
        %mul3A_434 = arith.muli %scan3A_420, %mul3A_433 : i32
        %get3A_435 = arith.index_cast %mul3A_141 : i32 to index
        %get3A_436 = arith.index_cast %mul3A_434 : i32 to index
        %get3A_437 = vector.load %arg5[%get3A_435, %get3A_436] : memref<256x4096xf32, #tpu.memory_space<vmem>>, vector<32x128xf32>
        %jit3A_438 = arith.constant 1.000000e+07 : f32
        %broadcast_in_dim3A_439 = vector.broadcast %jit3A_438 : f32 to vector<32x128xf32>
        %select_n3A_440 = arith.select %eq3A_432, %get3A_437, %broadcast_in_dim3A_439 : vector<32x128xi1>, vector<32x128xf32>
        %min3A_441 = arith.minimumf %min3A_413, %select_n3A_440 : vector<32x128xf32>
        %max3A_442 = arith.maximumf %min3A_413, %select_n3A_440 : vector<32x128xf32>
        %min3A_443 = arith.minimumf %min3A_415, %max3A_442 : vector<32x128xf32>
        %max3A_444 = arith.maximumf %min3A_415, %max3A_442 : vector<32x128xf32>
        %min3A_445 = arith.minimumf %min3A_417, %max3A_444 : vector<32x128xf32>
        %max3A_446 = arith.maximumf %min3A_417, %max3A_444 : vector<32x128xf32>
        %min3A_447 = arith.minimumf %min3A_419, %max3A_446 : vector<32x128xf32>
        %scan3A_448 = arith.constant 10 : i32
        %mul3A_449 = arith.constant 128 : i32
        %mul3A_450 = arith.muli %scan3A_448, %mul3A_449 : i32
        %iota3A_451 = tpu.iota {dimensions = array<i32: 1>} : vector<32x128xi32>
        %add3A_452 = vector.broadcast %mul3A_450 : i32 to vector<32x128xi32>
        %add3A_453 = arith.addi %add3A_452, %iota3A_451 : vector<32x128xi32>
        %lt3A_454 = vector.broadcast %get3A_0 : i32 to vector<32x128xi32>
        %lt3A_455 = arith.cmpi slt, %add3A_453, %lt3A_454 : vector<32x128xi32>
        %eq3A_456 = vector.broadcast %lt3A_161 : vector<32x1xi1> to vector<32x128xi1>
        %eq3A_457 = vector.broadcast %eq3A_456 : vector<32x128xi1> to vector<32x128xi1>
        %eq3A_458 = arith.xori %eq3A_457, %lt3A_455 : vector<32x128xi1>
        %eq3A_459 = arith.constant dense<true> : vector<32x128xi1>
        %eq3A_460 = arith.xori %eq3A_458, %eq3A_459 : vector<32x128xi1>
        %mul3A_461 = arith.constant 128 : i32
        %mul3A_462 = arith.muli %scan3A_448, %mul3A_461 : i32
        %get3A_463 = arith.index_cast %mul3A_141 : i32 to index
        %get3A_464 = arith.index_cast %mul3A_462 : i32 to index
        %get3A_465 = vector.load %arg5[%get3A_463, %get3A_464] : memref<256x4096xf32, #tpu.memory_space<vmem>>, vector<32x128xf32>
        %jit3A_466 = arith.constant 1.000000e+07 : f32
        %broadcast_in_dim3A_467 = vector.broadcast %jit3A_466 : f32 to vector<32x128xf32>
        %select_n3A_468 = arith.select %eq3A_460, %get3A_465, %broadcast_in_dim3A_467 : vector<32x128xi1>, vector<32x128xf32>
        %min3A_469 = arith.minimumf %min3A_441, %select_n3A_468 : vector<32x128xf32>
        %max3A_470 = arith.maximumf %min3A_441, %select_n3A_468 : vector<32x128xf32>
        %min3A_471 = arith.minimumf %min3A_443, %max3A_470 : vector<32x128xf32>
        %max3A_472 = arith.maximumf %min3A_443, %max3A_470 : vector<32x128xf32>
        %min3A_473 = arith.minimumf %min3A_445, %max3A_472 : vector<32x128xf32>
        %max3A_474 = arith.maximumf %min3A_445, %max3A_472 : vector<32x128xf32>
        %min3A_475 = arith.minimumf %min3A_447, %max3A_474 : vector<32x128xf32>
        %scan3A_476 = arith.constant 11 : i32
        %mul3A_477 = arith.constant 128 : i32
        %mul3A_478 = arith.muli %scan3A_476, %mul3A_477 : i32
        %iota3A_479 = tpu.iota {dimensions = array<i32: 1>} : vector<32x128xi32>
        %add3A_480 = vector.broadcast %mul3A_478 : i32 to vector<32x128xi32>
        %add3A_481 = arith.addi %add3A_480, %iota3A_479 : vector<32x128xi32>
        %lt3A_482 = vector.broadcast %get3A_0 : i32 to vector<32x128xi32>
        %lt3A_483 = arith.cmpi slt, %add3A_481, %lt3A_482 : vector<32x128xi32>
        %eq3A_484 = vector.broadcast %lt3A_161 : vector<32x1xi1> to vector<32x128xi1>
        %eq3A_485 = vector.broadcast %eq3A_484 : vector<32x128xi1> to vector<32x128xi1>
        %eq3A_486 = arith.xori %eq3A_485, %lt3A_483 : vector<32x128xi1>
        %eq3A_487 = arith.constant dense<true> : vector<32x128xi1>
        %eq3A_488 = arith.xori %eq3A_486, %eq3A_487 : vector<32x128xi1>
        %mul3A_489 = arith.constant 128 : i32
        %mul3A_490 = arith.muli %scan3A_476, %mul3A_489 : i32
        %get3A_491 = arith.index_cast %mul3A_141 : i32 to index
        %get3A_492 = arith.index_cast %mul3A_490 : i32 to index
        %get3A_493 = vector.load %arg5[%get3A_491, %get3A_492] : memref<256x4096xf32, #tpu.memory_space<vmem>>, vector<32x128xf32>
        %jit3A_494 = arith.constant 1.000000e+07 : f32
        %broadcast_in_dim3A_495 = vector.broadcast %jit3A_494 : f32 to vector<32x128xf32>
        %select_n3A_496 = arith.select %eq3A_488, %get3A_493, %broadcast_in_dim3A_495 : vector<32x128xi1>, vector<32x128xf32>
        %min3A_497 = arith.minimumf %min3A_469, %select_n3A_496 : vector<32x128xf32>
        %max3A_498 = arith.maximumf %min3A_469, %select_n3A_496 : vector<32x128xf32>
        %min3A_499 = arith.minimumf %min3A_471, %max3A_498 : vector<32x128xf32>
        %max3A_500 = arith.maximumf %min3A_471, %max3A_498 : vector<32x128xf32>
        %min3A_501 = arith.minimumf %min3A_473, %max3A_500 : vector<32x128xf32>
        %max3A_502 = arith.maximumf %min3A_473, %max3A_500 : vector<32x128xf32>
        %min3A_503 = arith.minimumf %min3A_475, %max3A_502 : vector<32x128xf32>
        %scan3A_504 = arith.constant 12 : i32
        %mul3A_505 = arith.constant 128 : i32
        %mul3A_506 = arith.muli %scan3A_504, %mul3A_505 : i32
        %iota3A_507 = tpu.iota {dimensions = array<i32: 1>} : vector<32x128xi32>
        %add3A_508 = vector.broadcast %mul3A_506 : i32 to vector<32x128xi32>
        %add3A_509 = arith.addi %add3A_508, %iota3A_507 : vector<32x128xi32>
        %lt3A_510 = vector.broadcast %get3A_0 : i32 to vector<32x128xi32>
        %lt3A_511 = arith.cmpi slt, %add3A_509, %lt3A_510 : vector<32x128xi32>
        %eq3A_512 = vector.broadcast %lt3A_161 : vector<32x1xi1> to vector<32x128xi1>
        %eq3A_513 = vector.broadcast %eq3A_512 : vector<32x128xi1> to vector<32x128xi1>
        %eq3A_514 = arith.xori %eq3A_513, %lt3A_511 : vector<32x128xi1>
        %eq3A_515 = arith.constant dense<true> : vector<32x128xi1>
        %eq3A_516 = arith.xori %eq3A_514, %eq3A_515 : vector<32x128xi1>
        %mul3A_517 = arith.constant 128 : i32
        %mul3A_518 = arith.muli %scan3A_504, %mul3A_517 : i32
        %get3A_519 = arith.index_cast %mul3A_141 : i32 to index
        %get3A_520 = arith.index_cast %mul3A_518 : i32 to index
        %get3A_521 = vector.load %arg5[%get3A_519, %get3A_520] : memref<256x4096xf32, #tpu.memory_space<vmem>>, vector<32x128xf32>
        %jit3A_522 = arith.constant 1.000000e+07 : f32
        %broadcast_in_dim3A_523 = vector.broadcast %jit3A_522 : f32 to vector<32x128xf32>
        %select_n3A_524 = arith.select %eq3A_516, %get3A_521, %broadcast_in_dim3A_523 : vector<32x128xi1>, vector<32x128xf32>
        %min3A_525 = arith.minimumf %min3A_497, %select_n3A_524 : vector<32x128xf32>
        %max3A_526 = arith.maximumf %min3A_497, %select_n3A_524 : vector<32x128xf32>
        %min3A_527 = arith.minimumf %min3A_499, %max3A_526 : vector<32x128xf32>
        %max3A_528 = arith.maximumf %min3A_499, %max3A_526 : vector<32x128xf32>
        %min3A_529 = arith.minimumf %min3A_501, %max3A_528 : vector<32x128xf32>
        %max3A_530 = arith.maximumf %min3A_501, %max3A_528 : vector<32x128xf32>
        %min3A_531 = arith.minimumf %min3A_503, %max3A_530 : vector<32x128xf32>
        %scan3A_532 = arith.constant 13 : i32
        %mul3A_533 = arith.constant 128 : i32
        %mul3A_534 = arith.muli %scan3A_532, %mul3A_533 : i32
        %iota3A_535 = tpu.iota {dimensions = array<i32: 1>} : vector<32x128xi32>
        %add3A_536 = vector.broadcast %mul3A_534 : i32 to vector<32x128xi32>
        %add3A_537 = arith.addi %add3A_536, %iota3A_535 : vector<32x128xi32>
        %lt3A_538 = vector.broadcast %get3A_0 : i32 to vector<32x128xi32>
        %lt3A_539 = arith.cmpi slt, %add3A_537, %lt3A_538 : vector<32x128xi32>
        %eq3A_540 = vector.broadcast %lt3A_161 : vector<32x1xi1> to vector<32x128xi1>
        %eq3A_541 = vector.broadcast %eq3A_540 : vector<32x128xi1> to vector<32x128xi1>
        %eq3A_542 = arith.xori %eq3A_541, %lt3A_539 : vector<32x128xi1>
        %eq3A_543 = arith.constant dense<true> : vector<32x128xi1>
        %eq3A_544 = arith.xori %eq3A_542, %eq3A_543 : vector<32x128xi1>
        %mul3A_545 = arith.constant 128 : i32
        %mul3A_546 = arith.muli %scan3A_532, %mul3A_545 : i32
        %get3A_547 = arith.index_cast %mul3A_141 : i32 to index
        %get3A_548 = arith.index_cast %mul3A_546 : i32 to index
        %get3A_549 = vector.load %arg5[%get3A_547, %get3A_548] : memref<256x4096xf32, #tpu.memory_space<vmem>>, vector<32x128xf32>
        %jit3A_550 = arith.constant 1.000000e+07 : f32
        %broadcast_in_dim3A_551 = vector.broadcast %jit3A_550 : f32 to vector<32x128xf32>
        %select_n3A_552 = arith.select %eq3A_544, %get3A_549, %broadcast_in_dim3A_551 : vector<32x128xi1>, vector<32x128xf32>
        %min3A_553 = arith.minimumf %min3A_525, %select_n3A_552 : vector<32x128xf32>
        %max3A_554 = arith.maximumf %min3A_525, %select_n3A_552 : vector<32x128xf32>
        %min3A_555 = arith.minimumf %min3A_527, %max3A_554 : vector<32x128xf32>
        %max3A_556 = arith.maximumf %min3A_527, %max3A_554 : vector<32x128xf32>
        %min3A_557 = arith.minimumf %min3A_529, %max3A_556 : vector<32x128xf32>
        %max3A_558 = arith.maximumf %min3A_529, %max3A_556 : vector<32x128xf32>
        %min3A_559 = arith.minimumf %min3A_531, %max3A_558 : vector<32x128xf32>
        %scan3A_560 = arith.constant 14 : i32
        %mul3A_561 = arith.constant 128 : i32
        %mul3A_562 = arith.muli %scan3A_560, %mul3A_561 : i32
        %iota3A_563 = tpu.iota {dimensions = array<i32: 1>} : vector<32x128xi32>
        %add3A_564 = vector.broadcast %mul3A_562 : i32 to vector<32x128xi32>
        %add3A_565 = arith.addi %add3A_564, %iota3A_563 : vector<32x128xi32>
        %lt3A_566 = vector.broadcast %get3A_0 : i32 to vector<32x128xi32>
        %lt3A_567 = arith.cmpi slt, %add3A_565, %lt3A_566 : vector<32x128xi32>
        %eq3A_568 = vector.broadcast %lt3A_161 : vector<32x1xi1> to vector<32x128xi1>
        %eq3A_569 = vector.broadcast %eq3A_568 : vector<32x128xi1> to vector<32x128xi1>
        %eq3A_570 = arith.xori %eq3A_569, %lt3A_567 : vector<32x128xi1>
        %eq3A_571 = arith.constant dense<true> : vector<32x128xi1>
        %eq3A_572 = arith.xori %eq3A_570, %eq3A_571 : vector<32x128xi1>
        %mul3A_573 = arith.constant 128 : i32
        %mul3A_574 = arith.muli %scan3A_560, %mul3A_573 : i32
        %get3A_575 = arith.index_cast %mul3A_141 : i32 to index
        %get3A_576 = arith.index_cast %mul3A_574 : i32 to index
        %get3A_577 = vector.load %arg5[%get3A_575, %get3A_576] : memref<256x4096xf32, #tpu.memory_space<vmem>>, vector<32x128xf32>
        %jit3A_578 = arith.constant 1.000000e+07 : f32
        %broadcast_in_dim3A_579 = vector.broadcast %jit3A_578 : f32 to vector<32x128xf32>
        %select_n3A_580 = arith.select %eq3A_572, %get3A_577, %broadcast_in_dim3A_579 : vector<32x128xi1>, vector<32x128xf32>
        %min3A_581 = arith.minimumf %min3A_553, %select_n3A_580 : vector<32x128xf32>
        %max3A_582 = arith.maximumf %min3A_553, %select_n3A_580 : vector<32x128xf32>
        %min3A_583 = arith.minimumf %min3A_555, %max3A_582 : vector<32x128xf32>
        %max3A_584 = arith.maximumf %min3A_555, %max3A_582 : vector<32x128xf32>
        %min3A_585 = arith.minimumf %min3A_557, %max3A_584 : vector<32x128xf32>
        %max3A_586 = arith.maximumf %min3A_557, %max3A_584 : vector<32x128xf32>
        %min3A_587 = arith.minimumf %min3A_559, %max3A_586 : vector<32x128xf32>
        %scan3A_588 = arith.constant 15 : i32
        %mul3A_589 = arith.constant 128 : i32
        %mul3A_590 = arith.muli %scan3A_588, %mul3A_589 : i32
        %iota3A_591 = tpu.iota {dimensions = array<i32: 1>} : vector<32x128xi32>
        %add3A_592 = vector.broadcast %mul3A_590 : i32 to vector<32x128xi32>
        %add3A_593 = arith.addi %add3A_592, %iota3A_591 : vector<32x128xi32>
        %lt3A_594 = vector.broadcast %get3A_0 : i32 to vector<32x128xi32>
        %lt3A_595 = arith.cmpi slt, %add3A_593, %lt3A_594 : vector<32x128xi32>
        %eq3A_596 = vector.broadcast %lt3A_161 : vector<32x1xi1> to vector<32x128xi1>
        %eq3A_597 = vector.broadcast %eq3A_596 : vector<32x128xi1> to vector<32x128xi1>
        %eq3A_598 = arith.xori %eq3A_597, %lt3A_595 : vector<32x128xi1>
        %eq3A_599 = arith.constant dense<true> : vector<32x128xi1>
        %eq3A_600 = arith.xori %eq3A_598, %eq3A_599 : vector<32x128xi1>
        %mul3A_601 = arith.constant 128 : i32
        %mul3A_602 = arith.muli %scan3A_588, %mul3A_601 : i32
        %get3A_603 = arith.index_cast %mul3A_141 : i32 to index
        %get3A_604 = arith.index_cast %mul3A_602 : i32 to index
        %get3A_605 = vector.load %arg5[%get3A_603, %get3A_604] : memref<256x4096xf32, #tpu.memory_space<vmem>>, vector<32x128xf32>
        %jit3A_606 = arith.constant 1.000000e+07 : f32
        %broadcast_in_dim3A_607 = vector.broadcast %jit3A_606 : f32 to vector<32x128xf32>
        %select_n3A_608 = arith.select %eq3A_600, %get3A_605, %broadcast_in_dim3A_607 : vector<32x128xi1>, vector<32x128xf32>
        %min3A_609 = arith.minimumf %min3A_581, %select_n3A_608 : vector<32x128xf32>
        %max3A_610 = arith.maximumf %min3A_581, %select_n3A_608 : vector<32x128xf32>
        %min3A_611 = arith.minimumf %min3A_583, %max3A_610 : vector<32x128xf32>
        %max3A_612 = arith.maximumf %min3A_583, %max3A_610 : vector<32x128xf32>
        %min3A_613 = arith.minimumf %min3A_585, %max3A_612 : vector<32x128xf32>
        %max3A_614 = arith.maximumf %min3A_585, %max3A_612 : vector<32x128xf32>
        %min3A_615 = arith.minimumf %min3A_587, %max3A_614 : vector<32x128xf32>
        %scan3A_616 = arith.constant 16 : i32
        %mul3A_617 = arith.constant 128 : i32
        %mul3A_618 = arith.muli %scan3A_616, %mul3A_617 : i32
        %iota3A_619 = tpu.iota {dimensions = array<i32: 1>} : vector<32x128xi32>
        %add3A_620 = vector.broadcast %mul3A_618 : i32 to vector<32x128xi32>
        %add3A_621 = arith.addi %add3A_620, %iota3A_619 : vector<32x128xi32>
        %lt3A_622 = vector.broadcast %get3A_0 : i32 to vector<32x128xi32>
        %lt3A_623 = arith.cmpi slt, %add3A_621, %lt3A_622 : vector<32x128xi32>
        %eq3A_624 = vector.broadcast %lt3A_161 : vector<32x1xi1> to vector<32x128xi1>
        %eq3A_625 = vector.broadcast %eq3A_624 : vector<32x128xi1> to vector<32x128xi1>
        %eq3A_626 = arith.xori %eq3A_625, %lt3A_623 : vector<32x128xi1>
        %eq3A_627 = arith.constant dense<true> : vector<32x128xi1>
        %eq3A_628 = arith.xori %eq3A_626, %eq3A_627 : vector<32x128xi1>
        %mul3A_629 = arith.constant 128 : i32
        %mul3A_630 = arith.muli %scan3A_616, %mul3A_629 : i32
        %get3A_631 = arith.index_cast %mul3A_141 : i32 to index
        %get3A_632 = arith.index_cast %mul3A_630 : i32 to index
        %get3A_633 = vector.load %arg5[%get3A_631, %get3A_632] : memref<256x4096xf32, #tpu.memory_space<vmem>>, vector<32x128xf32>
        %jit3A_634 = arith.constant 1.000000e+07 : f32
        %broadcast_in_dim3A_635 = vector.broadcast %jit3A_634 : f32 to vector<32x128xf32>
        %select_n3A_636 = arith.select %eq3A_628, %get3A_633, %broadcast_in_dim3A_635 : vector<32x128xi1>, vector<32x128xf32>
        %min3A_637 = arith.minimumf %min3A_609, %select_n3A_636 : vector<32x128xf32>
        %max3A_638 = arith.maximumf %min3A_609, %select_n3A_636 : vector<32x128xf32>
        %min3A_639 = arith.minimumf %min3A_611, %max3A_638 : vector<32x128xf32>
        %max3A_640 = arith.maximumf %min3A_611, %max3A_638 : vector<32x128xf32>
        %min3A_641 = arith.minimumf %min3A_613, %max3A_640 : vector<32x128xf32>
        %max3A_642 = arith.maximumf %min3A_613, %max3A_640 : vector<32x128xf32>
        %min3A_643 = arith.minimumf %min3A_615, %max3A_642 : vector<32x128xf32>
        %scan3A_644 = arith.constant 17 : i32
        %mul3A_645 = arith.constant 128 : i32
        %mul3A_646 = arith.muli %scan3A_644, %mul3A_645 : i32
        %iota3A_647 = tpu.iota {dimensions = array<i32: 1>} : vector<32x128xi32>
        %add3A_648 = vector.broadcast %mul3A_646 : i32 to vector<32x128xi32>
        %add3A_649 = arith.addi %add3A_648, %iota3A_647 : vector<32x128xi32>
        %lt3A_650 = vector.broadcast %get3A_0 : i32 to vector<32x128xi32>
        %lt3A_651 = arith.cmpi slt, %add3A_649, %lt3A_650 : vector<32x128xi32>
        %eq3A_652 = vector.broadcast %lt3A_161 : vector<32x1xi1> to vector<32x128xi1>
        %eq3A_653 = vector.broadcast %eq3A_652 : vector<32x128xi1> to vector<32x128xi1>
        %eq3A_654 = arith.xori %eq3A_653, %lt3A_651 : vector<32x128xi1>
        %eq3A_655 = arith.constant dense<true> : vector<32x128xi1>
        %eq3A_656 = arith.xori %eq3A_654, %eq3A_655 : vector<32x128xi1>
        %mul3A_657 = arith.constant 128 : i32
        %mul3A_658 = arith.muli %scan3A_644, %mul3A_657 : i32
        %get3A_659 = arith.index_cast %mul3A_141 : i32 to index
        %get3A_660 = arith.index_cast %mul3A_658 : i32 to index
        %get3A_661 = vector.load %arg5[%get3A_659, %get3A_660] : memref<256x4096xf32, #tpu.memory_space<vmem>>, vector<32x128xf32>
        %jit3A_662 = arith.constant 1.000000e+07 : f32
        %broadcast_in_dim3A_663 = vector.broadcast %jit3A_662 : f32 to vector<32x128xf32>
        %select_n3A_664 = arith.select %eq3A_656, %get3A_661, %broadcast_in_dim3A_663 : vector<32x128xi1>, vector<32x128xf32>
        %min3A_665 = arith.minimumf %min3A_637, %select_n3A_664 : vector<32x128xf32>
        %max3A_666 = arith.maximumf %min3A_637, %select_n3A_664 : vector<32x128xf32>
        %min3A_667 = arith.minimumf %min3A_639, %max3A_666 : vector<32x128xf32>
        %max3A_668 = arith.maximumf %min3A_639, %max3A_666 : vector<32x128xf32>
        %min3A_669 = arith.minimumf %min3A_641, %max3A_668 : vector<32x128xf32>
        %max3A_670 = arith.maximumf %min3A_641, %max3A_668 : vector<32x128xf32>
        %min3A_671 = arith.minimumf %min3A_643, %max3A_670 : vector<32x128xf32>
        %scan3A_672 = arith.constant 18 : i32
        %mul3A_673 = arith.constant 128 : i32
        %mul3A_674 = arith.muli %scan3A_672, %mul3A_673 : i32
        %iota3A_675 = tpu.iota {dimensions = array<i32: 1>} : vector<32x128xi32>
        %add3A_676 = vector.broadcast %mul3A_674 : i32 to vector<32x128xi32>
        %add3A_677 = arith.addi %add3A_676, %iota3A_675 : vector<32x128xi32>
        %lt3A_678 = vector.broadcast %get3A_0 : i32 to vector<32x128xi32>
        %lt3A_679 = arith.cmpi slt, %add3A_677, %lt3A_678 : vector<32x128xi32>
        %eq3A_680 = vector.broadcast %lt3A_161 : vector<32x1xi1> to vector<32x128xi1>
        %eq3A_681 = vector.broadcast %eq3A_680 : vector<32x128xi1> to vector<32x128xi1>
        %eq3A_682 = arith.xori %eq3A_681, %lt3A_679 : vector<32x128xi1>
        %eq3A_683 = arith.constant dense<true> : vector<32x128xi1>
        %eq3A_684 = arith.xori %eq3A_682, %eq3A_683 : vector<32x128xi1>
        %mul3A_685 = arith.constant 128 : i32
        %mul3A_686 = arith.muli %scan3A_672, %mul3A_685 : i32
        %get3A_687 = arith.index_cast %mul3A_141 : i32 to index
        %get3A_688 = arith.index_cast %mul3A_686 : i32 to index
        %get3A_689 = vector.load %arg5[%get3A_687, %get3A_688] : memref<256x4096xf32, #tpu.memory_space<vmem>>, vector<32x128xf32>
        %jit3A_690 = arith.constant 1.000000e+07 : f32
        %broadcast_in_dim3A_691 = vector.broadcast %jit3A_690 : f32 to vector<32x128xf32>
        %select_n3A_692 = arith.select %eq3A_684, %get3A_689, %broadcast_in_dim3A_691 : vector<32x128xi1>, vector<32x128xf32>
        %min3A_693 = arith.minimumf %min3A_665, %select_n3A_692 : vector<32x128xf32>
        %max3A_694 = arith.maximumf %min3A_665, %select_n3A_692 : vector<32x128xf32>
        %min3A_695 = arith.minimumf %min3A_667, %max3A_694 : vector<32x128xf32>
        %max3A_696 = arith.maximumf %min3A_667, %max3A_694 : vector<32x128xf32>
        %min3A_697 = arith.minimumf %min3A_669, %max3A_696 : vector<32x128xf32>
        %max3A_698 = arith.maximumf %min3A_669, %max3A_696 : vector<32x128xf32>
        %min3A_699 = arith.minimumf %min3A_671, %max3A_698 : vector<32x128xf32>
        %scan3A_700 = arith.constant 19 : i32
        %mul3A_701 = arith.constant 128 : i32
        %mul3A_702 = arith.muli %scan3A_700, %mul3A_701 : i32
        %iota3A_703 = tpu.iota {dimensions = array<i32: 1>} : vector<32x128xi32>
        %add3A_704 = vector.broadcast %mul3A_702 : i32 to vector<32x128xi32>
        %add3A_705 = arith.addi %add3A_704, %iota3A_703 : vector<32x128xi32>
        %lt3A_706 = vector.broadcast %get3A_0 : i32 to vector<32x128xi32>
        %lt3A_707 = arith.cmpi slt, %add3A_705, %lt3A_706 : vector<32x128xi32>
        %eq3A_708 = vector.broadcast %lt3A_161 : vector<32x1xi1> to vector<32x128xi1>
        %eq3A_709 = vector.broadcast %eq3A_708 : vector<32x128xi1> to vector<32x128xi1>
        %eq3A_710 = arith.xori %eq3A_709, %lt3A_707 : vector<32x128xi1>
        %eq3A_711 = arith.constant dense<true> : vector<32x128xi1>
        %eq3A_712 = arith.xori %eq3A_710, %eq3A_711 : vector<32x128xi1>
        %mul3A_713 = arith.constant 128 : i32
        %mul3A_714 = arith.muli %scan3A_700, %mul3A_713 : i32
        %get3A_715 = arith.index_cast %mul3A_141 : i32 to index
        %get3A_716 = arith.index_cast %mul3A_714 : i32 to index
        %get3A_717 = vector.load %arg5[%get3A_715, %get3A_716] : memref<256x4096xf32, #tpu.memory_space<vmem>>, vector<32x128xf32>
        %jit3A_718 = arith.constant 1.000000e+07 : f32
        %broadcast_in_dim3A_719 = vector.broadcast %jit3A_718 : f32 to vector<32x128xf32>
        %select_n3A_720 = arith.select %eq3A_712, %get3A_717, %broadcast_in_dim3A_719 : vector<32x128xi1>, vector<32x128xf32>
        %min3A_721 = arith.minimumf %min3A_693, %select_n3A_720 : vector<32x128xf32>
        %max3A_722 = arith.maximumf %min3A_693, %select_n3A_720 : vector<32x128xf32>
        %min3A_723 = arith.minimumf %min3A_695, %max3A_722 : vector<32x128xf32>
        %max3A_724 = arith.maximumf %min3A_695, %max3A_722 : vector<32x128xf32>
        %min3A_725 = arith.minimumf %min3A_697, %max3A_724 : vector<32x128xf32>
        %max3A_726 = arith.maximumf %min3A_697, %max3A_724 : vector<32x128xf32>
        %min3A_727 = arith.minimumf %min3A_699, %max3A_726 : vector<32x128xf32>
        %scan3A_728 = arith.constant 20 : i32
        %mul3A_729 = arith.constant 128 : i32
        %mul3A_730 = arith.muli %scan3A_728, %mul3A_729 : i32
        %iota3A_731 = tpu.iota {dimensions = array<i32: 1>} : vector<32x128xi32>
        %add3A_732 = vector.broadcast %mul3A_730 : i32 to vector<32x128xi32>
        %add3A_733 = arith.addi %add3A_732, %iota3A_731 : vector<32x128xi32>
        %lt3A_734 = vector.broadcast %get3A_0 : i32 to vector<32x128xi32>
        %lt3A_735 = arith.cmpi slt, %add3A_733, %lt3A_734 : vector<32x128xi32>
        %eq3A_736 = vector.broadcast %lt3A_161 : vector<32x1xi1> to vector<32x128xi1>
        %eq3A_737 = vector.broadcast %eq3A_736 : vector<32x128xi1> to vector<32x128xi1>
        %eq3A_738 = arith.xori %eq3A_737, %lt3A_735 : vector<32x128xi1>
        %eq3A_739 = arith.constant dense<true> : vector<32x128xi1>
        %eq3A_740 = arith.xori %eq3A_738, %eq3A_739 : vector<32x128xi1>
        %mul3A_741 = arith.constant 128 : i32
        %mul3A_742 = arith.muli %scan3A_728, %mul3A_741 : i32
        %get3A_743 = arith.index_cast %mul3A_141 : i32 to index
        %get3A_744 = arith.index_cast %mul3A_742 : i32 to index
        %get3A_745 = vector.load %arg5[%get3A_743, %get3A_744] : memref<256x4096xf32, #tpu.memory_space<vmem>>, vector<32x128xf32>
        %jit3A_746 = arith.constant 1.000000e+07 : f32
        %broadcast_in_dim3A_747 = vector.broadcast %jit3A_746 : f32 to vector<32x128xf32>
        %select_n3A_748 = arith.select %eq3A_740, %get3A_745, %broadcast_in_dim3A_747 : vector<32x128xi1>, vector<32x128xf32>
        %min3A_749 = arith.minimumf %min3A_721, %select_n3A_748 : vector<32x128xf32>
        %max3A_750 = arith.maximumf %min3A_721, %select_n3A_748 : vector<32x128xf32>
        %min3A_751 = arith.minimumf %min3A_723, %max3A_750 : vector<32x128xf32>
        %max3A_752 = arith.maximumf %min3A_723, %max3A_750 : vector<32x128xf32>
        %min3A_753 = arith.minimumf %min3A_725, %max3A_752 : vector<32x128xf32>
        %max3A_754 = arith.maximumf %min3A_725, %max3A_752 : vector<32x128xf32>
        %min3A_755 = arith.minimumf %min3A_727, %max3A_754 : vector<32x128xf32>
        %scan3A_756 = arith.constant 21 : i32
        %mul3A_757 = arith.constant 128 : i32
        %mul3A_758 = arith.muli %scan3A_756, %mul3A_757 : i32
        %iota3A_759 = tpu.iota {dimensions = array<i32: 1>} : vector<32x128xi32>
        %add3A_760 = vector.broadcast %mul3A_758 : i32 to vector<32x128xi32>
        %add3A_761 = arith.addi %add3A_760, %iota3A_759 : vector<32x128xi32>
        %lt3A_762 = vector.broadcast %get3A_0 : i32 to vector<32x128xi32>
        %lt3A_763 = arith.cmpi slt, %add3A_761, %lt3A_762 : vector<32x128xi32>
        %eq3A_764 = vector.broadcast %lt3A_161 : vector<32x1xi1> to vector<32x128xi1>
        %eq3A_765 = vector.broadcast %eq3A_764 : vector<32x128xi1> to vector<32x128xi1>
        %eq3A_766 = arith.xori %eq3A_765, %lt3A_763 : vector<32x128xi1>
        %eq3A_767 = arith.constant dense<true> : vector<32x128xi1>
        %eq3A_768 = arith.xori %eq3A_766, %eq3A_767 : vector<32x128xi1>
        %mul3A_769 = arith.constant 128 : i32
        %mul3A_770 = arith.muli %scan3A_756, %mul3A_769 : i32
        %get3A_771 = arith.index_cast %mul3A_141 : i32 to index
        %get3A_772 = arith.index_cast %mul3A_770 : i32 to index
        %get3A_773 = vector.load %arg5[%get3A_771, %get3A_772] : memref<256x4096xf32, #tpu.memory_space<vmem>>, vector<32x128xf32>
        %jit3A_774 = arith.constant 1.000000e+07 : f32
        %broadcast_in_dim3A_775 = vector.broadcast %jit3A_774 : f32 to vector<32x128xf32>
        %select_n3A_776 = arith.select %eq3A_768, %get3A_773, %broadcast_in_dim3A_775 : vector<32x128xi1>, vector<32x128xf32>
        %min3A_777 = arith.minimumf %min3A_749, %select_n3A_776 : vector<32x128xf32>
        %max3A_778 = arith.maximumf %min3A_749, %select_n3A_776 : vector<32x128xf32>
        %min3A_779 = arith.minimumf %min3A_751, %max3A_778 : vector<32x128xf32>
        %max3A_780 = arith.maximumf %min3A_751, %max3A_778 : vector<32x128xf32>
        %min3A_781 = arith.minimumf %min3A_753, %max3A_780 : vector<32x128xf32>
        %max3A_782 = arith.maximumf %min3A_753, %max3A_780 : vector<32x128xf32>
        %min3A_783 = arith.minimumf %min3A_755, %max3A_782 : vector<32x128xf32>
        %scan3A_784 = arith.constant 22 : i32
        %mul3A_785 = arith.constant 128 : i32
        %mul3A_786 = arith.muli %scan3A_784, %mul3A_785 : i32
        %iota3A_787 = tpu.iota {dimensions = array<i32: 1>} : vector<32x128xi32>
        %add3A_788 = vector.broadcast %mul3A_786 : i32 to vector<32x128xi32>
        %add3A_789 = arith.addi %add3A_788, %iota3A_787 : vector<32x128xi32>
        %lt3A_790 = vector.broadcast %get3A_0 : i32 to vector<32x128xi32>
        %lt3A_791 = arith.cmpi slt, %add3A_789, %lt3A_790 : vector<32x128xi32>
        %eq3A_792 = vector.broadcast %lt3A_161 : vector<32x1xi1> to vector<32x128xi1>
        %eq3A_793 = vector.broadcast %eq3A_792 : vector<32x128xi1> to vector<32x128xi1>
        %eq3A_794 = arith.xori %eq3A_793, %lt3A_791 : vector<32x128xi1>
        %eq3A_795 = arith.constant dense<true> : vector<32x128xi1>
        %eq3A_796 = arith.xori %eq3A_794, %eq3A_795 : vector<32x128xi1>
        %mul3A_797 = arith.constant 128 : i32
        %mul3A_798 = arith.muli %scan3A_784, %mul3A_797 : i32
        %get3A_799 = arith.index_cast %mul3A_141 : i32 to index
        %get3A_800 = arith.index_cast %mul3A_798 : i32 to index
        %get3A_801 = vector.load %arg5[%get3A_799, %get3A_800] : memref<256x4096xf32, #tpu.memory_space<vmem>>, vector<32x128xf32>
        %jit3A_802 = arith.constant 1.000000e+07 : f32
        %broadcast_in_dim3A_803 = vector.broadcast %jit3A_802 : f32 to vector<32x128xf32>
        %select_n3A_804 = arith.select %eq3A_796, %get3A_801, %broadcast_in_dim3A_803 : vector<32x128xi1>, vector<32x128xf32>
        %min3A_805 = arith.minimumf %min3A_777, %select_n3A_804 : vector<32x128xf32>
        %max3A_806 = arith.maximumf %min3A_777, %select_n3A_804 : vector<32x128xf32>
        %min3A_807 = arith.minimumf %min3A_779, %max3A_806 : vector<32x128xf32>
        %max3A_808 = arith.maximumf %min3A_779, %max3A_806 : vector<32x128xf32>
        %min3A_809 = arith.minimumf %min3A_781, %max3A_808 : vector<32x128xf32>
        %max3A_810 = arith.maximumf %min3A_781, %max3A_808 : vector<32x128xf32>
        %min3A_811 = arith.minimumf %min3A_783, %max3A_810 : vector<32x128xf32>
        %scan3A_812 = arith.constant 23 : i32
        %mul3A_813 = arith.constant 128 : i32
        %mul3A_814 = arith.muli %scan3A_812, %mul3A_813 : i32
        %iota3A_815 = tpu.iota {dimensions = array<i32: 1>} : vector<32x128xi32>
        %add3A_816 = vector.broadcast %mul3A_814 : i32 to vector<32x128xi32>
        %add3A_817 = arith.addi %add3A_816, %iota3A_815 : vector<32x128xi32>
        %lt3A_818 = vector.broadcast %get3A_0 : i32 to vector<32x128xi32>
        %lt3A_819 = arith.cmpi slt, %add3A_817, %lt3A_818 : vector<32x128xi32>
        %eq3A_820 = vector.broadcast %lt3A_161 : vector<32x1xi1> to vector<32x128xi1>
        %eq3A_821 = vector.broadcast %eq3A_820 : vector<32x128xi1> to vector<32x128xi1>
        %eq3A_822 = arith.xori %eq3A_821, %lt3A_819 : vector<32x128xi1>
        %eq3A_823 = arith.constant dense<true> : vector<32x128xi1>
        %eq3A_824 = arith.xori %eq3A_822, %eq3A_823 : vector<32x128xi1>
        %mul3A_825 = arith.constant 128 : i32
        %mul3A_826 = arith.muli %scan3A_812, %mul3A_825 : i32
        %get3A_827 = arith.index_cast %mul3A_141 : i32 to index
        %get3A_828 = arith.index_cast %mul3A_826 : i32 to index
        %get3A_829 = vector.load %arg5[%get3A_827, %get3A_828] : memref<256x4096xf32, #tpu.memory_space<vmem>>, vector<32x128xf32>
        %jit3A_830 = arith.constant 1.000000e+07 : f32
        %broadcast_in_dim3A_831 = vector.broadcast %jit3A_830 : f32 to vector<32x128xf32>
        %select_n3A_832 = arith.select %eq3A_824, %get3A_829, %broadcast_in_dim3A_831 : vector<32x128xi1>, vector<32x128xf32>
        %min3A_833 = arith.minimumf %min3A_805, %select_n3A_832 : vector<32x128xf32>
        %max3A_834 = arith.maximumf %min3A_805, %select_n3A_832 : vector<32x128xf32>
        %min3A_835 = arith.minimumf %min3A_807, %max3A_834 : vector<32x128xf32>
        %max3A_836 = arith.maximumf %min3A_807, %max3A_834 : vector<32x128xf32>
        %min3A_837 = arith.minimumf %min3A_809, %max3A_836 : vector<32x128xf32>
        %max3A_838 = arith.maximumf %min3A_809, %max3A_836 : vector<32x128xf32>
        %min3A_839 = arith.minimumf %min3A_811, %max3A_838 : vector<32x128xf32>
        %scan3A_840 = arith.constant 24 : i32
        %mul3A_841 = arith.constant 128 : i32
        %mul3A_842 = arith.muli %scan3A_840, %mul3A_841 : i32
        %iota3A_843 = tpu.iota {dimensions = array<i32: 1>} : vector<32x128xi32>
        %add3A_844 = vector.broadcast %mul3A_842 : i32 to vector<32x128xi32>
        %add3A_845 = arith.addi %add3A_844, %iota3A_843 : vector<32x128xi32>
        %lt3A_846 = vector.broadcast %get3A_0 : i32 to vector<32x128xi32>
        %lt3A_847 = arith.cmpi slt, %add3A_845, %lt3A_846 : vector<32x128xi32>
        %eq3A_848 = vector.broadcast %lt3A_161 : vector<32x1xi1> to vector<32x128xi1>
        %eq3A_849 = vector.broadcast %eq3A_848 : vector<32x128xi1> to vector<32x128xi1>
        %eq3A_850 = arith.xori %eq3A_849, %lt3A_847 : vector<32x128xi1>
        %eq3A_851 = arith.constant dense<true> : vector<32x128xi1>
        %eq3A_852 = arith.xori %eq3A_850, %eq3A_851 : vector<32x128xi1>
        %mul3A_853 = arith.constant 128 : i32
        %mul3A_854 = arith.muli %scan3A_840, %mul3A_853 : i32
        %get3A_855 = arith.index_cast %mul3A_141 : i32 to index
        %get3A_856 = arith.index_cast %mul3A_854 : i32 to index
        %get3A_857 = vector.load %arg5[%get3A_855, %get3A_856] : memref<256x4096xf32, #tpu.memory_space<vmem>>, vector<32x128xf32>
        %jit3A_858 = arith.constant 1.000000e+07 : f32
        %broadcast_in_dim3A_859 = vector.broadcast %jit3A_858 : f32 to vector<32x128xf32>
        %select_n3A_860 = arith.select %eq3A_852, %get3A_857, %broadcast_in_dim3A_859 : vector<32x128xi1>, vector<32x128xf32>
        %min3A_861 = arith.minimumf %min3A_833, %select_n3A_860 : vector<32x128xf32>
        %max3A_862 = arith.maximumf %min3A_833, %select_n3A_860 : vector<32x128xf32>
        %min3A_863 = arith.minimumf %min3A_835, %max3A_862 : vector<32x128xf32>
        %max3A_864 = arith.maximumf %min3A_835, %max3A_862 : vector<32x128xf32>
        %min3A_865 = arith.minimumf %min3A_837, %max3A_864 : vector<32x128xf32>
        %max3A_866 = arith.maximumf %min3A_837, %max3A_864 : vector<32x128xf32>
        %min3A_867 = arith.minimumf %min3A_839, %max3A_866 : vector<32x128xf32>
        %scan3A_868 = arith.constant 25 : i32
        %mul3A_869 = arith.constant 128 : i32
        %mul3A_870 = arith.muli %scan3A_868, %mul3A_869 : i32
        %iota3A_871 = tpu.iota {dimensions = array<i32: 1>} : vector<32x128xi32>
        %add3A_872 = vector.broadcast %mul3A_870 : i32 to vector<32x128xi32>
        %add3A_873 = arith.addi %add3A_872, %iota3A_871 : vector<32x128xi32>
        %lt3A_874 = vector.broadcast %get3A_0 : i32 to vector<32x128xi32>
        %lt3A_875 = arith.cmpi slt, %add3A_873, %lt3A_874 : vector<32x128xi32>
        %eq3A_876 = vector.broadcast %lt3A_161 : vector<32x1xi1> to vector<32x128xi1>
        %eq3A_877 = vector.broadcast %eq3A_876 : vector<32x128xi1> to vector<32x128xi1>
        %eq3A_878 = arith.xori %eq3A_877, %lt3A_875 : vector<32x128xi1>
        %eq3A_879 = arith.constant dense<true> : vector<32x128xi1>
        %eq3A_880 = arith.xori %eq3A_878, %eq3A_879 : vector<32x128xi1>
        %mul3A_881 = arith.constant 128 : i32
        %mul3A_882 = arith.muli %scan3A_868, %mul3A_881 : i32
        %get3A_883 = arith.index_cast %mul3A_141 : i32 to index
        %get3A_884 = arith.index_cast %mul3A_882 : i32 to index
        %get3A_885 = vector.load %arg5[%get3A_883, %get3A_884] : memref<256x4096xf32, #tpu.memory_space<vmem>>, vector<32x128xf32>
        %jit3A_886 = arith.constant 1.000000e+07 : f32
        %broadcast_in_dim3A_887 = vector.broadcast %jit3A_886 : f32 to vector<32x128xf32>
        %select_n3A_888 = arith.select %eq3A_880, %get3A_885, %broadcast_in_dim3A_887 : vector<32x128xi1>, vector<32x128xf32>
        %min3A_889 = arith.minimumf %min3A_861, %select_n3A_888 : vector<32x128xf32>
        %max3A_890 = arith.maximumf %min3A_861, %select_n3A_888 : vector<32x128xf32>
        %min3A_891 = arith.minimumf %min3A_863, %max3A_890 : vector<32x128xf32>
        %max3A_892 = arith.maximumf %min3A_863, %max3A_890 : vector<32x128xf32>
        %min3A_893 = arith.minimumf %min3A_865, %max3A_892 : vector<32x128xf32>
        %max3A_894 = arith.maximumf %min3A_865, %max3A_892 : vector<32x128xf32>
        %min3A_895 = arith.minimumf %min3A_867, %max3A_894 : vector<32x128xf32>
        %scan3A_896 = arith.constant 26 : i32
        %mul3A_897 = arith.constant 128 : i32
        %mul3A_898 = arith.muli %scan3A_896, %mul3A_897 : i32
        %iota3A_899 = tpu.iota {dimensions = array<i32: 1>} : vector<32x128xi32>
        %add3A_900 = vector.broadcast %mul3A_898 : i32 to vector<32x128xi32>
        %add3A_901 = arith.addi %add3A_900, %iota3A_899 : vector<32x128xi32>
        %lt3A_902 = vector.broadcast %get3A_0 : i32 to vector<32x128xi32>
        %lt3A_903 = arith.cmpi slt, %add3A_901, %lt3A_902 : vector<32x128xi32>
        %eq3A_904 = vector.broadcast %lt3A_161 : vector<32x1xi1> to vector<32x128xi1>
        %eq3A_905 = vector.broadcast %eq3A_904 : vector<32x128xi1> to vector<32x128xi1>
        %eq3A_906 = arith.xori %eq3A_905, %lt3A_903 : vector<32x128xi1>
        %eq3A_907 = arith.constant dense<true> : vector<32x128xi1>
        %eq3A_908 = arith.xori %eq3A_906, %eq3A_907 : vector<32x128xi1>
        %mul3A_909 = arith.constant 128 : i32
        %mul3A_910 = arith.muli %scan3A_896, %mul3A_909 : i32
        %get3A_911 = arith.index_cast %mul3A_141 : i32 to index
        %get3A_912 = arith.index_cast %mul3A_910 : i32 to index
        %get3A_913 = vector.load %arg5[%get3A_911, %get3A_912] : memref<256x4096xf32, #tpu.memory_space<vmem>>, vector<32x128xf32>
        %jit3A_914 = arith.constant 1.000000e+07 : f32
        %broadcast_in_dim3A_915 = vector.broadcast %jit3A_914 : f32 to vector<32x128xf32>
        %select_n3A_916 = arith.select %eq3A_908, %get3A_913, %broadcast_in_dim3A_915 : vector<32x128xi1>, vector<32x128xf32>
        %min3A_917 = arith.minimumf %min3A_889, %select_n3A_916 : vector<32x128xf32>
        %max3A_918 = arith.maximumf %min3A_889, %select_n3A_916 : vector<32x128xf32>
        %min3A_919 = arith.minimumf %min3A_891, %max3A_918 : vector<32x128xf32>
        %max3A_920 = arith.maximumf %min3A_891, %max3A_918 : vector<32x128xf32>
        %min3A_921 = arith.minimumf %min3A_893, %max3A_920 : vector<32x128xf32>
        %max3A_922 = arith.maximumf %min3A_893, %max3A_920 : vector<32x128xf32>
        %min3A_923 = arith.minimumf %min3A_895, %max3A_922 : vector<32x128xf32>
        %scan3A_924 = arith.constant 27 : i32
        %mul3A_925 = arith.constant 128 : i32
        %mul3A_926 = arith.muli %scan3A_924, %mul3A_925 : i32
        %iota3A_927 = tpu.iota {dimensions = array<i32: 1>} : vector<32x128xi32>
        %add3A_928 = vector.broadcast %mul3A_926 : i32 to vector<32x128xi32>
        %add3A_929 = arith.addi %add3A_928, %iota3A_927 : vector<32x128xi32>
        %lt3A_930 = vector.broadcast %get3A_0 : i32 to vector<32x128xi32>
        %lt3A_931 = arith.cmpi slt, %add3A_929, %lt3A_930 : vector<32x128xi32>
        %eq3A_932 = vector.broadcast %lt3A_161 : vector<32x1xi1> to vector<32x128xi1>
        %eq3A_933 = vector.broadcast %eq3A_932 : vector<32x128xi1> to vector<32x128xi1>
        %eq3A_934 = arith.xori %eq3A_933, %lt3A_931 : vector<32x128xi1>
        %eq3A_935 = arith.constant dense<true> : vector<32x128xi1>
        %eq3A_936 = arith.xori %eq3A_934, %eq3A_935 : vector<32x128xi1>
        %mul3A_937 = arith.constant 128 : i32
        %mul3A_938 = arith.muli %scan3A_924, %mul3A_937 : i32
        %get3A_939 = arith.index_cast %mul3A_141 : i32 to index
        %get3A_940 = arith.index_cast %mul3A_938 : i32 to index
        %get3A_941 = vector.load %arg5[%get3A_939, %get3A_940] : memref<256x4096xf32, #tpu.memory_space<vmem>>, vector<32x128xf32>
        %jit3A_942 = arith.constant 1.000000e+07 : f32
        %broadcast_in_dim3A_943 = vector.broadcast %jit3A_942 : f32 to vector<32x128xf32>
        %select_n3A_944 = arith.select %eq3A_936, %get3A_941, %broadcast_in_dim3A_943 : vector<32x128xi1>, vector<32x128xf32>
        %min3A_945 = arith.minimumf %min3A_917, %select_n3A_944 : vector<32x128xf32>
        %max3A_946 = arith.maximumf %min3A_917, %select_n3A_944 : vector<32x128xf32>
        %min3A_947 = arith.minimumf %min3A_919, %max3A_946 : vector<32x128xf32>
        %max3A_948 = arith.maximumf %min3A_919, %max3A_946 : vector<32x128xf32>
        %min3A_949 = arith.minimumf %min3A_921, %max3A_948 : vector<32x128xf32>
        %max3A_950 = arith.maximumf %min3A_921, %max3A_948 : vector<32x128xf32>
        %min3A_951 = arith.minimumf %min3A_923, %max3A_950 : vector<32x128xf32>
        %scan3A_952 = arith.constant 28 : i32
        %mul3A_953 = arith.constant 128 : i32
        %mul3A_954 = arith.muli %scan3A_952, %mul3A_953 : i32
        %iota3A_955 = tpu.iota {dimensions = array<i32: 1>} : vector<32x128xi32>
        %add3A_956 = vector.broadcast %mul3A_954 : i32 to vector<32x128xi32>
        %add3A_957 = arith.addi %add3A_956, %iota3A_955 : vector<32x128xi32>
        %lt3A_958 = vector.broadcast %get3A_0 : i32 to vector<32x128xi32>
        %lt3A_959 = arith.cmpi slt, %add3A_957, %lt3A_958 : vector<32x128xi32>
        %eq3A_960 = vector.broadcast %lt3A_161 : vector<32x1xi1> to vector<32x128xi1>
        %eq3A_961 = vector.broadcast %eq3A_960 : vector<32x128xi1> to vector<32x128xi1>
        %eq3A_962 = arith.xori %eq3A_961, %lt3A_959 : vector<32x128xi1>
        %eq3A_963 = arith.constant dense<true> : vector<32x128xi1>
        %eq3A_964 = arith.xori %eq3A_962, %eq3A_963 : vector<32x128xi1>
        %mul3A_965 = arith.constant 128 : i32
        %mul3A_966 = arith.muli %scan3A_952, %mul3A_965 : i32
        %get3A_967 = arith.index_cast %mul3A_141 : i32 to index
        %get3A_968 = arith.index_cast %mul3A_966 : i32 to index
        %get3A_969 = vector.load %arg5[%get3A_967, %get3A_968] : memref<256x4096xf32, #tpu.memory_space<vmem>>, vector<32x128xf32>
        %jit3A_970 = arith.constant 1.000000e+07 : f32
        %broadcast_in_dim3A_971 = vector.broadcast %jit3A_970 : f32 to vector<32x128xf32>
        %select_n3A_972 = arith.select %eq3A_964, %get3A_969, %broadcast_in_dim3A_971 : vector<32x128xi1>, vector<32x128xf32>
        %min3A_973 = arith.minimumf %min3A_945, %select_n3A_972 : vector<32x128xf32>
        %max3A_974 = arith.maximumf %min3A_945, %select_n3A_972 : vector<32x128xf32>
        %min3A_975 = arith.minimumf %min3A_947, %max3A_974 : vector<32x128xf32>
        %max3A_976 = arith.maximumf %min3A_947, %max3A_974 : vector<32x128xf32>
        %min3A_977 = arith.minimumf %min3A_949, %max3A_976 : vector<32x128xf32>
        %max3A_978 = arith.maximumf %min3A_949, %max3A_976 : vector<32x128xf32>
        %min3A_979 = arith.minimumf %min3A_951, %max3A_978 : vector<32x128xf32>
        %scan3A_980 = arith.constant 29 : i32
        %mul3A_981 = arith.constant 128 : i32
        %mul3A_982 = arith.muli %scan3A_980, %mul3A_981 : i32
        %iota3A_983 = tpu.iota {dimensions = array<i32: 1>} : vector<32x128xi32>
        %add3A_984 = vector.broadcast %mul3A_982 : i32 to vector<32x128xi32>
        %add3A_985 = arith.addi %add3A_984, %iota3A_983 : vector<32x128xi32>
        %lt3A_986 = vector.broadcast %get3A_0 : i32 to vector<32x128xi32>
        %lt3A_987 = arith.cmpi slt, %add3A_985, %lt3A_986 : vector<32x128xi32>
        %eq3A_988 = vector.broadcast %lt3A_161 : vector<32x1xi1> to vector<32x128xi1>
        %eq3A_989 = vector.broadcast %eq3A_988 : vector<32x128xi1> to vector<32x128xi1>
        %eq3A_990 = arith.xori %eq3A_989, %lt3A_987 : vector<32x128xi1>
        %eq3A_991 = arith.constant dense<true> : vector<32x128xi1>
        %eq3A_992 = arith.xori %eq3A_990, %eq3A_991 : vector<32x128xi1>
        %mul3A_993 = arith.constant 128 : i32
        %mul3A_994 = arith.muli %scan3A_980, %mul3A_993 : i32
        %get3A_995 = arith.index_cast %mul3A_141 : i32 to index
        %get3A_996 = arith.index_cast %mul3A_994 : i32 to index
        %get3A_997 = vector.load %arg5[%get3A_995, %get3A_996] : memref<256x4096xf32, #tpu.memory_space<vmem>>, vector<32x128xf32>
        %jit3A_998 = arith.constant 1.000000e+07 : f32
        %broadcast_in_dim3A_999 = vector.broadcast %jit3A_998 : f32 to vector<32x128xf32>
        %select_n3A_1000 = arith.select %eq3A_992, %get3A_997, %broadcast_in_dim3A_999 : vector<32x128xi1>, vector<32x128xf32>
        %min3A_1001 = arith.minimumf %min3A_973, %select_n3A_1000 : vector<32x128xf32>
        %max3A_1002 = arith.maximumf %min3A_973, %select_n3A_1000 : vector<32x128xf32>
        %min3A_1003 = arith.minimumf %min3A_975, %max3A_1002 : vector<32x128xf32>
        %max3A_1004 = arith.maximumf %min3A_975, %max3A_1002 : vector<32x128xf32>
        %min3A_1005 = arith.minimumf %min3A_977, %max3A_1004 : vector<32x128xf32>
        %max3A_1006 = arith.maximumf %min3A_977, %max3A_1004 : vector<32x128xf32>
        %min3A_1007 = arith.minimumf %min3A_979, %max3A_1006 : vector<32x128xf32>
        %scan3A_1008 = arith.constant 30 : i32
        %mul3A_1009 = arith.constant 128 : i32
        %mul3A_1010 = arith.muli %scan3A_1008, %mul3A_1009 : i32
        %iota3A_1011 = tpu.iota {dimensions = array<i32: 1>} : vector<32x128xi32>
        %add3A_1012 = vector.broadcast %mul3A_1010 : i32 to vector<32x128xi32>
        %add3A_1013 = arith.addi %add3A_1012, %iota3A_1011 : vector<32x128xi32>
        %lt3A_1014 = vector.broadcast %get3A_0 : i32 to vector<32x128xi32>
        %lt3A_1015 = arith.cmpi slt, %add3A_1013, %lt3A_1014 : vector<32x128xi32>
        %eq3A_1016 = vector.broadcast %lt3A_161 : vector<32x1xi1> to vector<32x128xi1>
        %eq3A_1017 = vector.broadcast %eq3A_1016 : vector<32x128xi1> to vector<32x128xi1>
        %eq3A_1018 = arith.xori %eq3A_1017, %lt3A_1015 : vector<32x128xi1>
        %eq3A_1019 = arith.constant dense<true> : vector<32x128xi1>
        %eq3A_1020 = arith.xori %eq3A_1018, %eq3A_1019 : vector<32x128xi1>
        %mul3A_1021 = arith.constant 128 : i32
        %mul3A_1022 = arith.muli %scan3A_1008, %mul3A_1021 : i32
        %get3A_1023 = arith.index_cast %mul3A_141 : i32 to index
        %get3A_1024 = arith.index_cast %mul3A_1022 : i32 to index
        %get3A_1025 = vector.load %arg5[%get3A_1023, %get3A_1024] : memref<256x4096xf32, #tpu.memory_space<vmem>>, vector<32x128xf32>
        %jit3A_1026 = arith.constant 1.000000e+07 : f32
        %broadcast_in_dim3A_1027 = vector.broadcast %jit3A_1026 : f32 to vector<32x128xf32>
        %select_n3A_1028 = arith.select %eq3A_1020, %get3A_1025, %broadcast_in_dim3A_1027 : vector<32x128xi1>, vector<32x128xf32>
        %min3A_1029 = arith.minimumf %min3A_1001, %select_n3A_1028 : vector<32x128xf32>
        %max3A_1030 = arith.maximumf %min3A_1001, %select_n3A_1028 : vector<32x128xf32>
        %min3A_1031 = arith.minimumf %min3A_1003, %max3A_1030 : vector<32x128xf32>
        %max3A_1032 = arith.maximumf %min3A_1003, %max3A_1030 : vector<32x128xf32>
        %min3A_1033 = arith.minimumf %min3A_1005, %max3A_1032 : vector<32x128xf32>
        %max3A_1034 = arith.maximumf %min3A_1005, %max3A_1032 : vector<32x128xf32>
        %min3A_1035 = arith.minimumf %min3A_1007, %max3A_1034 : vector<32x128xf32>
        %scan3A_1036 = arith.constant 31 : i32
        %mul3A_1037 = arith.constant 128 : i32
        %mul3A_1038 = arith.muli %scan3A_1036, %mul3A_1037 : i32
        %iota3A_1039 = tpu.iota {dimensions = array<i32: 1>} : vector<32x128xi32>
        %add3A_1040 = vector.broadcast %mul3A_1038 : i32 to vector<32x128xi32>
        %add3A_1041 = arith.addi %add3A_1040, %iota3A_1039 : vector<32x128xi32>
        %lt3A_1042 = vector.broadcast %get3A_0 : i32 to vector<32x128xi32>
        %lt3A_1043 = arith.cmpi slt, %add3A_1041, %lt3A_1042 : vector<32x128xi32>
        %eq3A_1044 = vector.broadcast %lt3A_161 : vector<32x1xi1> to vector<32x128xi1>
        %eq3A_1045 = vector.broadcast %eq3A_1044 : vector<32x128xi1> to vector<32x128xi1>
        %eq3A_1046 = arith.xori %eq3A_1045, %lt3A_1043 : vector<32x128xi1>
        %eq3A_1047 = arith.constant dense<true> : vector<32x128xi1>
        %eq3A_1048 = arith.xori %eq3A_1046, %eq3A_1047 : vector<32x128xi1>
        %mul3A_1049 = arith.constant 128 : i32
        %mul3A_1050 = arith.muli %scan3A_1036, %mul3A_1049 : i32
        %get3A_1051 = arith.index_cast %mul3A_141 : i32 to index
        %get3A_1052 = arith.index_cast %mul3A_1050 : i32 to index
        %get3A_1053 = vector.load %arg5[%get3A_1051, %get3A_1052] : memref<256x4096xf32, #tpu.memory_space<vmem>>, vector<32x128xf32>
        %jit3A_1054 = arith.constant 1.000000e+07 : f32
        %broadcast_in_dim3A_1055 = vector.broadcast %jit3A_1054 : f32 to vector<32x128xf32>
        %select_n3A_1056 = arith.select %eq3A_1048, %get3A_1053, %broadcast_in_dim3A_1055 : vector<32x128xi1>, vector<32x128xf32>
        %min3A_1057 = arith.minimumf %min3A_1029, %select_n3A_1056 : vector<32x128xf32>
        %max3A_1058 = arith.maximumf %min3A_1029, %select_n3A_1056 : vector<32x128xf32>
        %min3A_1059 = arith.minimumf %min3A_1031, %max3A_1058 : vector<32x128xf32>
        %max3A_1060 = arith.maximumf %min3A_1031, %max3A_1058 : vector<32x128xf32>
        %min3A_1061 = arith.minimumf %min3A_1033, %max3A_1060 : vector<32x128xf32>
        %max3A_1062 = arith.maximumf %min3A_1033, %max3A_1060 : vector<32x128xf32>
        %min3A_1063 = arith.minimumf %min3A_1035, %max3A_1062 : vector<32x128xf32>
        %scan3A_1064 = arith.constant 32 : i32
        %concatenate3A = tpu.concatenate %min3A_1057, %min3A_1059, %min3A_1061, %min3A_1063 in 1 : vector<32x128xf32>, vector<32x128xf32>, vector<32x128xf32>, vector<32x128xf32> -> vector<32x512xf32>
        %broadcast_in_dim3A_1065 = arith.constant 4 : i32
        %broadcast_in_dim3A_1066 = vector.broadcast %broadcast_in_dim3A_1065 : i32 to vector<32x1xi32>
        %broadcast_in_dim3A_1067 = arith.constant 0.000000e+00 : f32
        %broadcast_in_dim3A_1068 = vector.broadcast %broadcast_in_dim3A_1067 : f32 to vector<32x1xf32>
        %reduce_min3A = arith.constant dense<0x7F800000> : vector<32xf32>
        %reduce_min3A_1069 = vector.multi_reduction <minimumf>, %concatenate3A, %reduce_min3A [1] : vector<32x512xf32> to vector<32xf32>
        %broadcast_in_dim3A_1070 = vector.shape_cast %reduce_min3A_1069 : vector<32xf32> to vector<32x1xf32>
        %eq3A_1071 = vector.broadcast %broadcast_in_dim3A_1070 : vector<32x1xf32> to vector<32x512xf32>
        %eq3A_1072 = arith.cmpf oeq, %concatenate3A, %eq3A_1071 : vector<32x512xf32>
        %convert_element_type3A_1073 = arith.extui %eq3A_1072 : vector<32x512xi1> to vector<32x512xi32>
        %reduce_sum3A_1074 = arith.constant dense<0> : vector<32xi32>
        %reduce_sum3A_1075 = vector.multi_reduction <add>, %convert_element_type3A_1073, %reduce_sum3A_1074 [1] : vector<32x512xi32> to vector<32xi32>
        %broadcast_in_dim3A_1076 = vector.shape_cast %reduce_sum3A_1075 : vector<32xi32> to vector<32x1xi32>
        %gt3A = arith.constant 0 : i32
        %gt3A_1077 = vector.broadcast %gt3A : i32 to vector<32x1xi32>
        %gt3A_1078 = arith.cmpi sgt, %broadcast_in_dim3A_1066, %gt3A_1077 : vector<32x1xi32>
        %select_n3A_1079 = arith.select %gt3A_1078, %broadcast_in_dim3A_1070, %broadcast_in_dim3A_1068 : vector<32x1xi1>, vector<32x1xf32>
        %sub3A_1080 = arith.subi %broadcast_in_dim3A_1066, %broadcast_in_dim3A_1076 : vector<32x1xi32>
        %jit3A_1081 = arith.constant 3.000000e+07 : f32
        %broadcast_in_dim3A_1082 = vector.broadcast %jit3A_1081 : f32 to vector<32x512xf32>
        %select_n3A_1083 = arith.select %eq3A_1072, %broadcast_in_dim3A_1082, %concatenate3A : vector<32x512xi1>, vector<32x512xf32>
        %reduce_min3A_1084 = arith.constant dense<0x7F800000> : vector<32xf32>
        %reduce_min3A_1085 = vector.multi_reduction <minimumf>, %select_n3A_1083, %reduce_min3A_1084 [1] : vector<32x512xf32> to vector<32xf32>
        %broadcast_in_dim3A_1086 = vector.shape_cast %reduce_min3A_1085 : vector<32xf32> to vector<32x1xf32>
        %eq3A_1087 = vector.broadcast %broadcast_in_dim3A_1086 : vector<32x1xf32> to vector<32x512xf32>
        %eq3A_1088 = arith.cmpf oeq, %select_n3A_1083, %eq3A_1087 : vector<32x512xf32>
        %convert_element_type3A_1089 = arith.extui %eq3A_1088 : vector<32x512xi1> to vector<32x512xi32>
        %reduce_sum3A_1090 = arith.constant dense<0> : vector<32xi32>
        %reduce_sum3A_1091 = vector.multi_reduction <add>, %convert_element_type3A_1089, %reduce_sum3A_1090 [1] : vector<32x512xi32> to vector<32xi32>
        %broadcast_in_dim3A_1092 = vector.shape_cast %reduce_sum3A_1091 : vector<32xi32> to vector<32x1xi32>
        %gt3A_1093 = arith.constant 0 : i32
        %gt3A_1094 = vector.broadcast %gt3A_1093 : i32 to vector<32x1xi32>
        %gt3A_1095 = arith.cmpi sgt, %sub3A_1080, %gt3A_1094 : vector<32x1xi32>
        %select_n3A_1096 = arith.select %gt3A_1095, %broadcast_in_dim3A_1086, %select_n3A_1079 : vector<32x1xi1>, vector<32x1xf32>
        %sub3A_1097 = arith.subi %sub3A_1080, %broadcast_in_dim3A_1092 : vector<32x1xi32>
        %jit3A_1098 = arith.constant 3.000000e+07 : f32
        %broadcast_in_dim3A_1099 = vector.broadcast %jit3A_1098 : f32 to vector<32x512xf32>
        %select_n3A_1100 = arith.select %eq3A_1088, %broadcast_in_dim3A_1099, %select_n3A_1083 : vector<32x512xi1>, vector<32x512xf32>
        %reduce_min3A_1101 = arith.constant dense<0x7F800000> : vector<32xf32>
        %reduce_min3A_1102 = vector.multi_reduction <minimumf>, %select_n3A_1100, %reduce_min3A_1101 [1] : vector<32x512xf32> to vector<32xf32>
        %broadcast_in_dim3A_1103 = vector.shape_cast %reduce_min3A_1102 : vector<32xf32> to vector<32x1xf32>
        %eq3A_1104 = vector.broadcast %broadcast_in_dim3A_1103 : vector<32x1xf32> to vector<32x512xf32>
        %eq3A_1105 = arith.cmpf oeq, %select_n3A_1100, %eq3A_1104 : vector<32x512xf32>
        %convert_element_type3A_1106 = arith.extui %eq3A_1105 : vector<32x512xi1> to vector<32x512xi32>
        %reduce_sum3A_1107 = arith.constant dense<0> : vector<32xi32>
        %reduce_sum3A_1108 = vector.multi_reduction <add>, %convert_element_type3A_1106, %reduce_sum3A_1107 [1] : vector<32x512xi32> to vector<32xi32>
        %broadcast_in_dim3A_1109 = vector.shape_cast %reduce_sum3A_1108 : vector<32xi32> to vector<32x1xi32>
        %gt3A_1110 = arith.constant 0 : i32
        %gt3A_1111 = vector.broadcast %gt3A_1110 : i32 to vector<32x1xi32>
        %gt3A_1112 = arith.cmpi sgt, %sub3A_1097, %gt3A_1111 : vector<32x1xi32>
        %select_n3A_1113 = arith.select %gt3A_1112, %broadcast_in_dim3A_1103, %select_n3A_1096 : vector<32x1xi1>, vector<32x1xf32>
        %sub3A_1114 = arith.subi %sub3A_1097, %broadcast_in_dim3A_1109 : vector<32x1xi32>
        %jit3A_1115 = arith.constant 3.000000e+07 : f32
        %broadcast_in_dim3A_1116 = vector.broadcast %jit3A_1115 : f32 to vector<32x512xf32>
        %select_n3A_1117 = arith.select %eq3A_1105, %broadcast_in_dim3A_1116, %select_n3A_1100 : vector<32x512xi1>, vector<32x512xf32>
        %reduce_min3A_1118 = arith.constant dense<0x7F800000> : vector<32xf32>
        %reduce_min3A_1119 = vector.multi_reduction <minimumf>, %select_n3A_1117, %reduce_min3A_1118 [1] : vector<32x512xf32> to vector<32xf32>
        %broadcast_in_dim3A_1120 = vector.shape_cast %reduce_min3A_1119 : vector<32xf32> to vector<32x1xf32>
        %gt3A_1121 = arith.constant 0 : i32
        %gt3A_1122 = vector.broadcast %gt3A_1121 : i32 to vector<32x1xi32>
        %gt3A_1123 = arith.cmpi sgt, %sub3A_1114, %gt3A_1122 : vector<32x1xi32>
        %select_n3A_1124 = arith.select %gt3A_1123, %broadcast_in_dim3A_1120, %select_n3A_1113 : vector<32x1xi1>, vector<32x1xf32>
        %swap3A_1125 = arith.index_cast %mul3A_141 : i32 to index
        %swap3A_1126 = arith.constant 0 : index
        %swap3A_1127 = vector.load %arg6[%swap3A_1125, %swap3A_1126] : memref<256x1xf32, #tpu.memory_space<vmem>>, vector<32x1xf32>
        tpu.vector_store %arg6[%swap3A_1125, %swap3A_1126], %select_n3A_1124 {strides = array<i32>} : memref<256x1xf32, #tpu.memory_space<vmem>>, vector<32x1xf32>,
      } else {
      }
    }
    %scan3A_32 = arith.constant 8 : i32
    %get3A_33 = arith.constant 0 : index
    %get3A_34 = arith.constant 0 : index
    %get3A_35 = vector.load %arg6[%get3A_33, %get3A_34] : memref<256x1xf32, #tpu.memory_space<vmem>>, vector<256x1xf32>
    %get3A_36 = arith.constant 0 : index
    %get3A_37 = arith.constant 0 : index
    %get3A_38 = vector.load %arg5[%get3A_36, %get3A_37] : memref<256x4096xf32, #tpu.memory_space<vmem>>, vector<256x4096xf32>
    %le3A_39 = vector.broadcast %get3A_35 : vector<256x1xf32> to vector<256x4096xf32>
    %le3A_40 = arith.cmpf ole, %get3A_38, %le3A_39 : vector<256x4096xf32>
    %jit3A_41 = arith.constant 1.000000e+00 : f32
    %jit3A_42 = arith.constant 0.000000e+00 : f32
    %broadcast_in_dim3A_43 = vector.broadcast %jit3A_41 : f32 to vector<256x4096xf32>
    %broadcast_in_dim3A_44 = vector.broadcast %jit3A_42 : f32 to vector<256x4096xf32>
    %select_n3A_45 = arith.select %le3A_40, %broadcast_in_dim3A_43, %broadcast_in_dim3A_44 : vector<256x4096xi1>, vector<256x4096xf32>
    %reduce_sum3A = arith.constant dense<0.000000e+00> : vector<256xf32>
    %reduce_sum3A_46 = vector.multi_reduction <add>, %select_n3A_45, %reduce_sum3A [1] : vector<256x4096xf32> to vector<256xf32>
    %broadcast_in_dim3A_47 = vector.shape_cast %reduce_sum3A_46 : vector<256xf32> to vector<256x1xf32>
    %sub3A_48 = arith.constant 1.000000e+00 : f32
    %sub3A_49 = vector.broadcast %sub3A_48 : f32 to vector<256x1xf32>
    %sub3A_50 = arith.subf %broadcast_in_dim3A_47, %sub3A_49 : vector<256x1xf32>
    %div3A = arith.constant 1.000000e+00 : f32
    %div3A_51 = vector.broadcast %div3A : f32 to vector<256x1xf32>
    %div3A_52 = arith.divf %div3A_51, %sub3A_50 : vector<256x1xf32>
    %add3A = arith.constant 1.000000e+00 : f32
    %add3A_53 = vector.broadcast %add3A : f32 to vector<256x1xf32>
    %add3A_54 = arith.addf %sub3A_50, %add3A_53 : vector<256x1xf32>
    %div3A_55 = arith.constant 1.000000e+00 : f32
    %div3A_56 = vector.broadcast %div3A_55 : f32 to vector<256x1xf32>
    %div3A_57 = arith.divf %div3A_56, %add3A_54 : vector<256x1xf32>
    %add3A_58 = arith.addf %div3A_52, %div3A_57 : vector<256x1xf32>
    %add3A_59 = arith.constant 2.000000e+00 : f32
    %add3A_60 = vector.broadcast %add3A_59 : f32 to vector<256x1xf32>
    %add3A_61 = arith.addf %sub3A_50, %add3A_60 : vector<256x1xf32>
    %div3A_62 = arith.constant 1.000000e+00 : f32
    %div3A_63 = vector.broadcast %div3A_62 : f32 to vector<256x1xf32>
    %div3A_64 = arith.divf %div3A_63, %add3A_61 : vector<256x1xf32>
    %add3A_65 = arith.addf %add3A_58, %div3A_64 : vector<256x1xf32>
    %add3A_66 = arith.constant 3.000000e+00 : f32
    %add3A_67 = vector.broadcast %add3A_66 : f32 to vector<256x1xf32>
    %add3A_68 = arith.addf %sub3A_50, %add3A_67 : vector<256x1xf32>
    %div3A_69 = arith.constant 1.000000e+00 : f32
    %div3A_70 = vector.broadcast %div3A_69 : f32 to vector<256x1xf32>
    %div3A_71 = arith.divf %div3A_70, %add3A_68 : vector<256x1xf32>
    %add3A_72 = arith.addf %add3A_65, %div3A_71 : vector<256x1xf32>
    %add3A_73 = arith.constant 4.000000e+00 : f32
    %add3A_74 = vector.broadcast %add3A_73 : f32 to vector<256x1xf32>
    %add3A_75 = arith.addf %sub3A_50, %add3A_74 : vector<256x1xf32>
    %div3A_76 = arith.constant 1.000000e+00 : f32
    %div3A_77 = vector.broadcast %div3A_76 : f32 to vector<256x1xf32>
    %div3A_78 = arith.divf %div3A_77, %add3A_75 : vector<256x1xf32>
    %add3A_79 = arith.addf %add3A_72, %div3A_78 : vector<256x1xf32>
    %add3A_80 = arith.constant 5.000000e+00 : f32
    %add3A_81 = vector.broadcast %add3A_80 : f32 to vector<256x1xf32>
    %add3A_82 = arith.addf %sub3A_50, %add3A_81 : vector<256x1xf32>
    %div3A_83 = arith.constant 1.000000e+00 : f32
    %div3A_84 = vector.broadcast %div3A_83 : f32 to vector<256x1xf32>
    %div3A_85 = arith.divf %div3A_84, %add3A_82 : vector<256x1xf32>
    %add3A_86 = arith.addf %add3A_79, %div3A_85 : vector<256x1xf32>
    %add3A_87 = arith.constant 6.000000e+00 : f32
    %add3A_88 = vector.broadcast %add3A_87 : f32 to vector<256x1xf32>
    %add3A_89 = arith.addf %sub3A_50, %add3A_88 : vector<256x1xf32>
    %div3A_90 = arith.constant 1.000000e+00 : f32
    %div3A_91 = vector.broadcast %div3A_90 : f32 to vector<256x1xf32>
    %div3A_92 = arith.divf %div3A_91, %add3A_89 : vector<256x1xf32>
    %mul3A_93 = arith.mulf %div3A_92, %div3A_92 : vector<256x1xf32>
    %log3A = math.log %add3A_89 : vector<256x1xf32>
    %mul3A_94 = arith.constant 5.000000e-01 : f32
    %mul3A_95 = vector.broadcast %mul3A_94 : f32 to vector<256x1xf32>
    %mul3A_96 = arith.mulf %mul3A_95, %div3A_92 : vector<256x1xf32>
    %sub3A_97 = arith.subf %log3A, %mul3A_96 : vector<256x1xf32>
    %mul3A_98 = arith.constant 0.0039682542 : f32
    %mul3A_99 = vector.broadcast %mul3A_98 : f32 to vector<256x1xf32>
    %mul3A_100 = arith.mulf %mul3A_93, %mul3A_99 : vector<256x1xf32>
    %sub3A_101 = arith.constant 0.00833333377 : f32
    %sub3A_102 = vector.broadcast %sub3A_101 : f32 to vector<256x1xf32>
    %sub3A_103 = arith.subf %sub3A_102, %mul3A_100 : vector<256x1xf32>
    %mul3A_104 = arith.mulf %mul3A_93, %sub3A_103 : vector<256x1xf32>
    %sub3A_105 = arith.constant 0.0833333358 : f32
    %sub3A_106 = vector.broadcast %sub3A_105 : f32 to vector<256x1xf32>
    %sub3A_107 = arith.subf %sub3A_106, %mul3A_104 : vector<256x1xf32>
    %mul3A_108 = arith.mulf %mul3A_93, %sub3A_107 : vector<256x1xf32>
    %sub3A_109 = arith.subf %sub3A_97, %mul3A_108 : vector<256x1xf32>
    %sub3A_110 = arith.subf %sub3A_109, %add3A_86 : vector<256x1xf32>
    %reduce_sum3A_111 = vector.shape_cast %sub3A_110 : vector<256x1xf32> to vector<1x256x1xf32>
    %reduce_sum3A_112 = arith.constant dense<0.000000e+00> : vector<1xf32>
    %reduce_sum3A_113 = vector.multi_reduction <add>, %reduce_sum3A_111, %reduce_sum3A_112 [1, 2] : vector<1x256x1xf32> to vector<1xf32>
    %reduce_sum3A_114 = vector.shape_cast %reduce_sum3A_113 : vector<1xf32> to vector<1x1x1xf32>
    %reduce_sum3A_115 = vector.extract %reduce_sum3A_114[0, 0, 0] : f32 from vector<1x1x1xf32>
    %broadcast_in_dim3A_116 = vector.broadcast %reduce_sum3A_115 : f32 to vector<1x1xf32>
    %eq3A_117 = arith.constant 0 : i32
    %eq3A_118 = arith.cmpi eq, %arg0, %eq3A_117 : i32
    %convert_element_type3A_119 = arith.extui %eq3A_118 : i1 to i32
    %cond3A_120 = arith.constant 0 : i32
    %cond3A_121 = arith.cmpi ne, %convert_element_type3A_119, %cond3A_120 : i32
    scf.if %cond3A_121 {
      %broadcast_in_dim3A_134 = arith.constant 0.000000e+00 : f32
      %broadcast_in_dim3A_135 = vector.broadcast %broadcast_in_dim3A_134 : f32 to vector<1x1xf32>
      %swap3A_136 = arith.constant 0 : index
      %swap3A_137 = arith.constant 0 : index
      %swap3A_138 = vector.load %arg3[%swap3A_136, %swap3A_137] : memref<1x1xf32, #tpu.memory_space<vmem>>, vector<1x1xf32>
      tpu.vector_store %arg3[%swap3A_136, %swap3A_137], %broadcast_in_dim3A_135 {strides = array<i32>} : memref<1x1xf32, #tpu.memory_space<vmem>>, vector<1x1xf32>,
    } else {
    }
    %get3A_122 = arith.constant 0 : index
    %get3A_123 = arith.constant 0 : index
    %get3A_124 = vector.load %arg3[%get3A_122, %get3A_123] : memref<1x1xf32, #tpu.memory_space<vmem>>, vector<1x1xf32>
    %add3A_125 = arith.addf %get3A_124, %broadcast_in_dim3A_116 : vector<1x1xf32>
    %swap3A_126 = arith.constant 0 : index
    %swap3A_127 = arith.constant 0 : index
    %swap3A_128 = vector.load %arg3[%swap3A_126, %swap3A_127] : memref<1x1xf32, #tpu.memory_space<vmem>>, vector<1x1xf32>
    tpu.vector_store %arg3[%swap3A_126, %swap3A_127], %add3A_125 {strides = array<i32>} : memref<1x1xf32, #tpu.memory_space<vmem>>, vector<1x1xf32>,
    %eq3A_129 = arith.constant 15 : i32
    %eq3A_130 = arith.cmpi eq, %arg0, %eq3A_129 : i32
    %convert_element_type3A_131 = arith.extui %eq3A_130 : i1 to i32
    %cond3A_132 = arith.constant 0 : i32
    %cond3A_133 = arith.cmpi ne, %convert_element_type3A_131, %cond3A_132 : i32
    scf.if %cond3A_133 {
      %get3A_134 = arith.constant 0 : index
      %get3A_135 = arith.constant 0 : index
      %get3A_136 = vector.load %arg3[%get3A_134, %get3A_135] : memref<1x1xf32, #tpu.memory_space<vmem>>, vector<1x1xf32>
      %broadcast_in_dim3A_137 = arith.constant 1.000000e+00 : f32
      %broadcast_in_dim3A_138 = vector.broadcast %broadcast_in_dim3A_137 : f32 to vector<1x1xf32>
      %convert_element_type3A_139 = arith.sitofp %get3A_0 : i32 to f32
      %mul3A_140 = vector.broadcast %convert_element_type3A_139 : f32 to vector<1x1xf32>
      %mul3A_141 = arith.mulf %broadcast_in_dim3A_138, %mul3A_140 : vector<1x1xf32>
      %sub3A_142 = arith.constant 4.096000e+03 : f32
      %sub3A_143 = vector.broadcast %sub3A_142 : f32 to vector<1x1xf32>
      %sub3A_144 = arith.subf %sub3A_143, %mul3A_141 : vector<1x1xf32>
      %div3A_145 = arith.constant 4.096000e+03 : f32
      %div3A_146 = vector.broadcast %div3A_145 : f32 to vector<1x1xf32>
      %div3A_147 = arith.divf %mul3A_141, %div3A_146 : vector<1x1xf32>
      %div3A_148 = arith.constant 1.000000e+00 : f32
      %div3A_149 = vector.broadcast %div3A_148 : f32 to vector<1x1xf32>
      %div3A_150 = arith.divf %div3A_149, %mul3A_141 : vector<1x1xf32>
      %add3A_151 = arith.constant 1.000000e+00 : f32
      %add3A_152 = vector.broadcast %add3A_151 : f32 to vector<1x1xf32>
      %add3A_153 = arith.addf %mul3A_141, %add3A_152 : vector<1x1xf32>
      %div3A_154 = arith.constant 1.000000e+00 : f32
      %div3A_155 = vector.broadcast %div3A_154 : f32 to vector<1x1xf32>
      %div3A_156 = arith.divf %div3A_155, %add3A_153 : vector<1x1xf32>
      %add3A_157 = arith.addf %div3A_150, %div3A_156 : vector<1x1xf32>
      %add3A_158 = arith.constant 2.000000e+00 : f32
      %add3A_159 = vector.broadcast %add3A_158 : f32 to vector<1x1xf32>
      %add3A_160 = arith.addf %mul3A_141, %add3A_159 : vector<1x1xf32>
      %div3A_161 = arith.constant 1.000000e+00 : f32
      %div3A_162 = vector.broadcast %div3A_161 : f32 to vector<1x1xf32>
      %div3A_163 = arith.divf %div3A_162, %add3A_160 : vector<1x1xf32>
      %add3A_164 = arith.addf %add3A_157, %div3A_163 : vector<1x1xf32>
      %add3A_165 = arith.constant 3.000000e+00 : f32
      %add3A_166 = vector.broadcast %add3A_165 : f32 to vector<1x1xf32>
      %add3A_167 = arith.addf %mul3A_141, %add3A_166 : vector<1x1xf32>
      %div3A_168 = arith.constant 1.000000e+00 : f32
      %div3A_169 = vector.broadcast %div3A_168 : f32 to vector<1x1xf32>
      %div3A_170 = arith.divf %div3A_169, %add3A_167 : vector<1x1xf32>
      %add3A_171 = arith.addf %add3A_164, %div3A_170 : vector<1x1xf32>
      %add3A_172 = arith.constant 4.000000e+00 : f32
      %add3A_173 = vector.broadcast %add3A_172 : f32 to vector<1x1xf32>
      %add3A_174 = arith.addf %mul3A_141, %add3A_173 : vector<1x1xf32>
      %div3A_175 = arith.constant 1.000000e+00 : f32
      %div3A_176 = vector.broadcast %div3A_175 : f32 to vector<1x1xf32>
      %div3A_177 = arith.divf %div3A_176, %add3A_174 : vector<1x1xf32>
      %add3A_178 = arith.addf %add3A_171, %div3A_177 : vector<1x1xf32>
      %add3A_179 = arith.constant 5.000000e+00 : f32
      %add3A_180 = vector.broadcast %add3A_179 : f32 to vector<1x1xf32>
      %add3A_181 = arith.addf %mul3A_141, %add3A_180 : vector<1x1xf32>
      %div3A_182 = arith.constant 1.000000e+00 : f32
      %div3A_183 = vector.broadcast %div3A_182 : f32 to vector<1x1xf32>
      %div3A_184 = arith.divf %div3A_183, %add3A_181 : vector<1x1xf32>
      %add3A_185 = arith.addf %add3A_178, %div3A_184 : vector<1x1xf32>
      %add3A_186 = arith.constant 6.000000e+00 : f32
      %add3A_187 = vector.broadcast %add3A_186 : f32 to vector<1x1xf32>
      %add3A_188 = arith.addf %mul3A_141, %add3A_187 : vector<1x1xf32>
      %div3A_189 = arith.constant 1.000000e+00 : f32
      %div3A_190 = vector.broadcast %div3A_189 : f32 to vector<1x1xf32>
      %div3A_191 = arith.divf %div3A_190, %add3A_188 : vector<1x1xf32>
      %mul3A_192 = arith.mulf %div3A_191, %div3A_191 : vector<1x1xf32>
      %log3A_193 = math.log %add3A_188 : vector<1x1xf32>
      %mul3A_194 = arith.constant 5.000000e-01 : f32
      %mul3A_195 = vector.broadcast %mul3A_194 : f32 to vector<1x1xf32>
      %mul3A_196 = arith.mulf %mul3A_195, %div3A_191 : vector<1x1xf32>
      %sub3A_197 = arith.subf %log3A_193, %mul3A_196 : vector<1x1xf32>
      %mul3A_198 = arith.constant 0.0039682542 : f32
      %mul3A_199 = vector.broadcast %mul3A_198 : f32 to vector<1x1xf32>
      %mul3A_200 = arith.mulf %mul3A_192, %mul3A_199 : vector<1x1xf32>
      %sub3A_201 = arith.constant 0.00833333377 : f32
      %sub3A_202 = vector.broadcast %sub3A_201 : f32 to vector<1x1xf32>
      %sub3A_203 = arith.subf %sub3A_202, %mul3A_200 : vector<1x1xf32>
      %mul3A_204 = arith.mulf %mul3A_192, %sub3A_203 : vector<1x1xf32>
      %sub3A_205 = arith.constant 0.0833333358 : f32
      %sub3A_206 = vector.broadcast %sub3A_205 : f32 to vector<1x1xf32>
      %sub3A_207 = arith.subf %sub3A_206, %mul3A_204 : vector<1x1xf32>
      %mul3A_208 = arith.mulf %mul3A_192, %sub3A_207 : vector<1x1xf32>
      %sub3A_209 = arith.subf %sub3A_197, %mul3A_208 : vector<1x1xf32>
      %sub3A_210 = arith.subf %sub3A_209, %add3A_185 : vector<1x1xf32>
      %mul3A_211 = arith.mulf %div3A_147, %sub3A_210 : vector<1x1xf32>
      %div3A_212 = arith.constant 4.096000e+03 : f32
      %div3A_213 = vector.broadcast %div3A_212 : f32 to vector<1x1xf32>
      %div3A_214 = arith.divf %sub3A_144, %div3A_213 : vector<1x1xf32>
      %div3A_215 = arith.constant 1.000000e+00 : f32
      %div3A_216 = vector.broadcast %div3A_215 : f32 to vector<1x1xf32>
      %div3A_217 = arith.divf %div3A_216, %sub3A_144 : vector<1x1xf32>
      %add3A_218 = arith.constant 1.000000e+00 : f32
      %add3A_219 = vector.broadcast %add3A_218 : f32 to vector<1x1xf32>
      %add3A_220 = arith.addf %sub3A_144, %add3A_219 : vector<1x1xf32>
      %div3A_221 = arith.constant 1.000000e+00 : f32
      %div3A_222 = vector.broadcast %div3A_221 : f32 to vector<1x1xf32>
      %div3A_223 = arith.divf %div3A_222, %add3A_220 : vector<1x1xf32>
      %add3A_224 = arith.addf %div3A_217, %div3A_223 : vector<1x1xf32>
      %add3A_225 = arith.constant 2.000000e+00 : f32
      %add3A_226 = vector.broadcast %add3A_225 : f32 to vector<1x1xf32>
      %add3A_227 = arith.addf %sub3A_144, %add3A_226 : vector<1x1xf32>
      %div3A_228 = arith.constant 1.000000e+00 : f32
      %div3A_229 = vector.broadcast %div3A_228 : f32 to vector<1x1xf32>
      %div3A_230 = arith.divf %div3A_229, %add3A_227 : vector<1x1xf32>
      %add3A_231 = arith.addf %add3A_224, %div3A_230 : vector<1x1xf32>
      %add3A_232 = arith.constant 3.000000e+00 : f32
      %add3A_233 = vector.broadcast %add3A_232 : f32 to vector<1x1xf32>
      %add3A_234 = arith.addf %sub3A_144, %add3A_233 : vector<1x1xf32>
      %div3A_235 = arith.constant 1.000000e+00 : f32
      %div3A_236 = vector.broadcast %div3A_235 : f32 to vector<1x1xf32>
      %div3A_237 = arith.divf %div3A_236, %add3A_234 : vector<1x1xf32>
      %add3A_238 = arith.addf %add3A_231, %div3A_237 : vector<1x1xf32>
      %add3A_239 = arith.constant 4.000000e+00 : f32
      %add3A_240 = vector.broadcast %add3A_239 : f32 to vector<1x1xf32>
      %add3A_241 = arith.addf %sub3A_144, %add3A_240 : vector<1x1xf32>
      %div3A_242 = arith.constant 1.000000e+00 : f32
      %div3A_243 = vector.broadcast %div3A_242 : f32 to vector<1x1xf32>
      %div3A_244 = arith.divf %div3A_243, %add3A_241 : vector<1x1xf32>
      %add3A_245 = arith.addf %add3A_238, %div3A_244 : vector<1x1xf32>
      %add3A_246 = arith.constant 5.000000e+00 : f32
      %add3A_247 = vector.broadcast %add3A_246 : f32 to vector<1x1xf32>
      %add3A_248 = arith.addf %sub3A_144, %add3A_247 : vector<1x1xf32>
      %div3A_249 = arith.constant 1.000000e+00 : f32
      %div3A_250 = vector.broadcast %div3A_249 : f32 to vector<1x1xf32>
      %div3A_251 = arith.divf %div3A_250, %add3A_248 : vector<1x1xf32>
      %add3A_252 = arith.addf %add3A_245, %div3A_251 : vector<1x1xf32>
      %add3A_253 = arith.constant 6.000000e+00 : f32
      %add3A_254 = vector.broadcast %add3A_253 : f32 to vector<1x1xf32>
      %add3A_255 = arith.addf %sub3A_144, %add3A_254 : vector<1x1xf32>
      %div3A_256 = arith.constant 1.000000e+00 : f32
      %div3A_257 = vector.broadcast %div3A_256 : f32 to vector<1x1xf32>
      %div3A_258 = arith.divf %div3A_257, %add3A_255 : vector<1x1xf32>
      %mul3A_259 = arith.mulf %div3A_258, %div3A_258 : vector<1x1xf32>
      %log3A_260 = math.log %add3A_255 : vector<1x1xf32>
      %mul3A_261 = arith.constant 5.000000e-01 : f32
      %mul3A_262 = vector.broadcast %mul3A_261 : f32 to vector<1x1xf32>
      %mul3A_263 = arith.mulf %mul3A_262, %div3A_258 : vector<1x1xf32>
      %sub3A_264 = arith.subf %log3A_260, %mul3A_263 : vector<1x1xf32>
      %mul3A_265 = arith.constant 0.0039682542 : f32
      %mul3A_266 = vector.broadcast %mul3A_265 : f32 to vector<1x1xf32>
      %mul3A_267 = arith.mulf %mul3A_259, %mul3A_266 : vector<1x1xf32>
      %sub3A_268 = arith.constant 0.00833333377 : f32
      %sub3A_269 = vector.broadcast %sub3A_268 : f32 to vector<1x1xf32>
      %sub3A_270 = arith.subf %sub3A_269, %mul3A_267 : vector<1x1xf32>
      %mul3A_271 = arith.mulf %mul3A_259, %sub3A_270 : vector<1x1xf32>
      %sub3A_272 = arith.constant 0.0833333358 : f32
      %sub3A_273 = vector.broadcast %sub3A_272 : f32 to vector<1x1xf32>
      %sub3A_274 = arith.subf %sub3A_273, %mul3A_271 : vector<1x1xf32>
      %mul3A_275 = arith.mulf %mul3A_259, %sub3A_274 : vector<1x1xf32>
      %sub3A_276 = arith.subf %sub3A_264, %mul3A_275 : vector<1x1xf32>
      %sub3A_277 = arith.subf %sub3A_276, %add3A_252 : vector<1x1xf32>
      %mul3A_278 = arith.mulf %div3A_214, %sub3A_277 : vector<1x1xf32>
      %add3A_279 = arith.addf %mul3A_211, %mul3A_278 : vector<1x1xf32>
      %mul3A_280 = arith.constant 4.096000e+03 : f32
      %mul3A_281 = vector.broadcast %mul3A_280 : f32 to vector<1x1xf32>
      %mul3A_282 = arith.mulf %broadcast_in_dim3A_138, %mul3A_281 : vector<1x1xf32>
      %div3A_283 = arith.constant 1.000000e+00 : f32
      %div3A_284 = vector.broadcast %div3A_283 : f32 to vector<1x1xf32>
      %div3A_285 = arith.divf %div3A_284, %mul3A_282 : vector<1x1xf32>
      %add3A_286 = arith.constant 1.000000e+00 : f32
      %add3A_287 = vector.broadcast %add3A_286 : f32 to vector<1x1xf32>
      %add3A_288 = arith.addf %mul3A_282, %add3A_287 : vector<1x1xf32>
      %div3A_289 = arith.constant 1.000000e+00 : f32
      %div3A_290 = vector.broadcast %div3A_289 : f32 to vector<1x1xf32>
      %div3A_291 = arith.divf %div3A_290, %add3A_288 : vector<1x1xf32>
      %add3A_292 = arith.addf %div3A_285, %div3A_291 : vector<1x1xf32>
      %add3A_293 = arith.constant 2.000000e+00 : f32
      %add3A_294 = vector.broadcast %add3A_293 : f32 to vector<1x1xf32>
      %add3A_295 = arith.addf %mul3A_282, %add3A_294 : vector<1x1xf32>
      %div3A_296 = arith.constant 1.000000e+00 : f32
      %div3A_297 = vector.broadcast %div3A_296 : f32 to vector<1x1xf32>
      %div3A_298 = arith.divf %div3A_297, %add3A_295 : vector<1x1xf32>
      %add3A_299 = arith.addf %add3A_292, %div3A_298 : vector<1x1xf32>
      %add3A_300 = arith.constant 3.000000e+00 : f32
      %add3A_301 = vector.broadcast %add3A_300 : f32 to vector<1x1xf32>
      %add3A_302 = arith.addf %mul3A_282, %add3A_301 : vector<1x1xf32>
      %div3A_303 = arith.constant 1.000000e+00 : f32
      %div3A_304 = vector.broadcast %div3A_303 : f32 to vector<1x1xf32>
      %div3A_305 = arith.divf %div3A_304, %add3A_302 : vector<1x1xf32>
      %add3A_306 = arith.addf %add3A_299, %div3A_305 : vector<1x1xf32>
      %add3A_307 = arith.constant 4.000000e+00 : f32
      %add3A_308 = vector.broadcast %add3A_307 : f32 to vector<1x1xf32>
      %add3A_309 = arith.addf %mul3A_282, %add3A_308 : vector<1x1xf32>
      %div3A_310 = arith.constant 1.000000e+00 : f32
      %div3A_311 = vector.broadcast %div3A_310 : f32 to vector<1x1xf32>
      %div3A_312 = arith.divf %div3A_311, %add3A_309 : vector<1x1xf32>
      %add3A_313 = arith.addf %add3A_306, %div3A_312 : vector<1x1xf32>
      %add3A_314 = arith.constant 5.000000e+00 : f32
      %add3A_315 = vector.broadcast %add3A_314 : f32 to vector<1x1xf32>
      %add3A_316 = arith.addf %mul3A_282, %add3A_315 : vector<1x1xf32>
      %div3A_317 = arith.constant 1.000000e+00 : f32
      %div3A_318 = vector.broadcast %div3A_317 : f32 to vector<1x1xf32>
      %div3A_319 = arith.divf %div3A_318, %add3A_316 : vector<1x1xf32>
      %add3A_320 = arith.addf %add3A_313, %div3A_319 : vector<1x1xf32>
      %add3A_321 = arith.constant 6.000000e+00 : f32
      %add3A_322 = vector.broadcast %add3A_321 : f32 to vector<1x1xf32>
      %add3A_323 = arith.addf %mul3A_282, %add3A_322 : vector<1x1xf32>
      %div3A_324 = arith.constant 1.000000e+00 : f32
      %div3A_325 = vector.broadcast %div3A_324 : f32 to vector<1x1xf32>
      %div3A_326 = arith.divf %div3A_325, %add3A_323 : vector<1x1xf32>
      %mul3A_327 = arith.mulf %div3A_326, %div3A_326 : vector<1x1xf32>
      %log3A_328 = math.log %add3A_323 : vector<1x1xf32>
      %mul3A_329 = arith.constant 5.000000e-01 : f32
      %mul3A_330 = vector.broadcast %mul3A_329 : f32 to vector<1x1xf32>
      %mul3A_331 = arith.mulf %mul3A_330, %div3A_326 : vector<1x1xf32>
      %sub3A_332 = arith.subf %log3A_328, %mul3A_331 : vector<1x1xf32>
      %mul3A_333 = arith.constant 0.0039682542 : f32
      %mul3A_334 = vector.broadcast %mul3A_333 : f32 to vector<1x1xf32>
      %mul3A_335 = arith.mulf %mul3A_327, %mul3A_334 : vector<1x1xf32>
      %sub3A_336 = arith.constant 0.00833333377 : f32
      %sub3A_337 = vector.broadcast %sub3A_336 : f32 to vector<1x1xf32>
      %sub3A_338 = arith.subf %sub3A_337, %mul3A_335 : vector<1x1xf32>
      %mul3A_339 = arith.mulf %mul3A_327, %sub3A_338 : vector<1x1xf32>
      %sub3A_340 = arith.constant 0.0833333358 : f32
      %sub3A_341 = vector.broadcast %sub3A_340 : f32 to vector<1x1xf32>
      %sub3A_342 = arith.subf %sub3A_341, %mul3A_339 : vector<1x1xf32>
      %mul3A_343 = arith.mulf %mul3A_327, %sub3A_342 : vector<1x1xf32>
      %sub3A_344 = arith.subf %sub3A_332, %mul3A_343 : vector<1x1xf32>
      %sub3A_345 = arith.subf %sub3A_344, %add3A_320 : vector<1x1xf32>
      %sub3A_346 = arith.subf %sub3A_345, %add3A_279 : vector<1x1xf32>
      %mul3A_347 = arith.constant 3.000000e+00 : f32
      %mul3A_348 = vector.broadcast %mul3A_347 : f32 to vector<1x1xf32>
      %mul3A_349 = arith.mulf %broadcast_in_dim3A_138, %mul3A_348 : vector<1x1xf32>
      %div3A_350 = arith.constant 1.000000e+00 : f32
      %div3A_351 = vector.broadcast %div3A_350 : f32 to vector<1x1xf32>
      %div3A_352 = arith.divf %div3A_351, %mul3A_349 : vector<1x1xf32>
      %add3A_353 = arith.constant 1.000000e+00 : f32
      %add3A_354 = vector.broadcast %add3A_353 : f32 to vector<1x1xf32>
      %add3A_355 = arith.addf %mul3A_349, %add3A_354 : vector<1x1xf32>
      %div3A_356 = arith.constant 1.000000e+00 : f32
      %div3A_357 = vector.broadcast %div3A_356 : f32 to vector<1x1xf32>
      %div3A_358 = arith.divf %div3A_357, %add3A_355 : vector<1x1xf32>
      %add3A_359 = arith.addf %div3A_352, %div3A_358 : vector<1x1xf32>
      %add3A_360 = arith.constant 2.000000e+00 : f32
      %add3A_361 = vector.broadcast %add3A_360 : f32 to vector<1x1xf32>
      %add3A_362 = arith.addf %mul3A_349, %add3A_361 : vector<1x1xf32>
      %div3A_363 = arith.constant 1.000000e+00 : f32
      %div3A_364 = vector.broadcast %div3A_363 : f32 to vector<1x1xf32>
      %div3A_365 = arith.divf %div3A_364, %add3A_362 : vector<1x1xf32>
      %add3A_366 = arith.addf %add3A_359, %div3A_365 : vector<1x1xf32>
      %add3A_367 = arith.constant 3.000000e+00 : f32
      %add3A_368 = vector.broadcast %add3A_367 : f32 to vector<1x1xf32>
      %add3A_369 = arith.addf %mul3A_349, %add3A_368 : vector<1x1xf32>
      %div3A_370 = arith.constant 1.000000e+00 : f32
      %div3A_371 = vector.broadcast %div3A_370 : f32 to vector<1x1xf32>
      %div3A_372 = arith.divf %div3A_371, %add3A_369 : vector<1x1xf32>
      %add3A_373 = arith.addf %add3A_366, %div3A_372 : vector<1x1xf32>
      %add3A_374 = arith.constant 4.000000e+00 : f32
      %add3A_375 = vector.broadcast %add3A_374 : f32 to vector<1x1xf32>
      %add3A_376 = arith.addf %mul3A_349, %add3A_375 : vector<1x1xf32>
      %div3A_377 = arith.constant 1.000000e+00 : f32
      %div3A_378 = vector.broadcast %div3A_377 : f32 to vector<1x1xf32>
      %div3A_379 = arith.divf %div3A_378, %add3A_376 : vector<1x1xf32>
      %add3A_380 = arith.addf %add3A_373, %div3A_379 : vector<1x1xf32>
      %add3A_381 = arith.constant 5.000000e+00 : f32
      %add3A_382 = vector.broadcast %add3A_381 : f32 to vector<1x1xf32>
      %add3A_383 = arith.addf %mul3A_349, %add3A_382 : vector<1x1xf32>
      %div3A_384 = arith.constant 1.000000e+00 : f32
      %div3A_385 = vector.broadcast %div3A_384 : f32 to vector<1x1xf32>
      %div3A_386 = arith.divf %div3A_385, %add3A_383 : vector<1x1xf32>
      %add3A_387 = arith.addf %add3A_380, %div3A_386 : vector<1x1xf32>
      %add3A_388 = arith.constant 6.000000e+00 : f32
      %add3A_389 = vector.broadcast %add3A_388 : f32 to vector<1x1xf32>
      %add3A_390 = arith.addf %mul3A_349, %add3A_389 : vector<1x1xf32>
      %div3A_391 = arith.constant 1.000000e+00 : f32
      %div3A_392 = vector.broadcast %div3A_391 : f32 to vector<1x1xf32>
      %div3A_393 = arith.divf %div3A_392, %add3A_390 : vector<1x1xf32>
      %mul3A_394 = arith.mulf %div3A_393, %div3A_393 : vector<1x1xf32>
      %log3A_395 = math.log %add3A_390 : vector<1x1xf32>
      %mul3A_396 = arith.constant 5.000000e-01 : f32
      %mul3A_397 = vector.broadcast %mul3A_396 : f32 to vector<1x1xf32>
      %mul3A_398 = arith.mulf %mul3A_397, %div3A_393 : vector<1x1xf32>
      %sub3A_399 = arith.subf %log3A_395, %mul3A_398 : vector<1x1xf32>
      %mul3A_400 = arith.constant 0.0039682542 : f32
      %mul3A_401 = vector.broadcast %mul3A_400 : f32 to vector<1x1xf32>
      %mul3A_402 = arith.mulf %mul3A_394, %mul3A_401 : vector<1x1xf32>
      %sub3A_403 = arith.constant 0.00833333377 : f32
      %sub3A_404 = vector.broadcast %sub3A_403 : f32 to vector<1x1xf32>
      %sub3A_405 = arith.subf %sub3A_404, %mul3A_402 : vector<1x1xf32>
      %mul3A_406 = arith.mulf %mul3A_394, %sub3A_405 : vector<1x1xf32>
      %sub3A_407 = arith.constant 0.0833333358 : f32
      %sub3A_408 = vector.broadcast %sub3A_407 : f32 to vector<1x1xf32>
      %sub3A_409 = arith.subf %sub3A_408, %mul3A_406 : vector<1x1xf32>
      %mul3A_410 = arith.mulf %mul3A_394, %sub3A_409 : vector<1x1xf32>
      %sub3A_411 = arith.subf %sub3A_399, %mul3A_410 : vector<1x1xf32>
      %sub3A_412 = arith.subf %sub3A_411, %add3A_387 : vector<1x1xf32>
      %add3A_413 = arith.addf %sub3A_346, %sub3A_412 : vector<1x1xf32>
      %div3A_414 = arith.constant 4.096000e+03 : f32
      %div3A_415 = vector.broadcast %div3A_414 : f32 to vector<1x1xf32>
      %div3A_416 = arith.divf %get3A_136, %div3A_415 : vector<1x1xf32>
      %sub3A_417 = arith.subf %add3A_413, %div3A_416 : vector<1x1xf32>
      %div3A_418 = arith.constant 0.693147182 : f32
      %div3A_419 = vector.broadcast %div3A_418 : f32 to vector<1x1xf32>
      %div3A_420 = arith.divf %sub3A_417, %div3A_419 : vector<1x1xf32>
      %swap3A_421 = arith.constant 0 : index
      %swap3A_422 = arith.constant 0 : index
      %swap3A_423 = vector.load %arg3[%swap3A_421, %swap3A_422] : memref<1x1xf32, #tpu.memory_space<vmem>>, vector<1x1xf32>
      tpu.vector_store %arg3[%swap3A_421, %swap3A_422], %div3A_420 {strides = array<i32>} : memref<1x1xf32, #tpu.memory_space<vmem>>, vector<1x1xf32>,
    } else {
    }
    return
  }
  func.func @transform_0(%arg0: i32, %arg1: memref<1xi32, #tpu.memory_space<smem>>) -> (i32, i32) {
    %c0_i32 = arith.constant 0 : i32
    %c0_i32_0 = arith.constant 0 : i32
    %c0_i32_1 = arith.constant 0 : i32
    return %c0_i32, %c0_i32_0 : i32, i32
  }
  func.func @transform_1(%arg0: i32, %arg1: memref<1xi32, #tpu.memory_space<smem>>) -> (i32, i32) {
    %c0_i32 = arith.constant 0 : i32
    %c0_i32_0 = arith.constant 0 : i32
    %c0_i32_1 = arith.constant 0 : i32
    return %c0_i32, %c0_i32_0 : i32, i32
  }
}

</mosaic_0001>

<sc_bundles>
// kernel: gather_offload_async_start
scs
__scs_entry_jumppad:
0x0: {  	(pc) =	sbr.rel $0x88, $3  }
0x1: {  	(tag) =	ssettag $0x0;
	lr =	simm.s32 $0x1  }
0x2: {  	[smem:$0x3F9F] =	sst lr;
	_ =	strace $0xD0000000  }
0x3: {  	_ = 	snop  }
0x4: {  	_ = 	snop  }
0x5: {  	_ = 	snop  }
0x6: {  	_ = 	snop  }
0x7: {  	_ = 	snop  }
__scs_overlays_trampoline_lowered:
0x8: {  	[smem:$0x3FAE] =	sst s0  }
0x9: {  	[smem:$0x3FAF] =	sst s1  }
0xa: {  	[smem:$0x3FB0] =	sst s2  }
0xb: {  	[smem:$0x3FB1] =	sst s3  }
0xc: {  	[smem:$0x3FB2] =	sst s4  }
0xd: {  	[smem:$0x3FB3] =	sst s5  }
0xe: {  	[smem:$0x3FB4] =	sst s6  }
0xf: {  	[smem:$0x3FB5] =	sst s7  }
0x10: {  	[smem:$0x3FB6] =	sst s8  }
0x11: {  	[smem:$0x3FB7] =	sst s9;
	s0 =	simm.s32 @!p0 $0x0  }
0x12: {  	s1 =	sld [smem:$0x3F9D];
	s0 =	simm.s32 @p0 $0x1  }
0x13: {  	[smem:$0x3FB8] =	sst s0;
	s0 =	simm.s32 @!p1 $0x0  }
0x14: {  	s2 =	sld [smem:$0x3F9C];
	s0 =	simm.s32 @p1 $0x1  }
0x15: {  	[smem:$0x3FB9] =	sst s0;
	s0 =	simm.s32 @!p2 $0x0  }
0x16: {  	s3 =	sld [smem:$0x3FDB];
	s0 =	simm.s32 @p2 $0x1  }
0x17: {  	s4 =	simm.s32 $0x1BF5;
	[smem:$0x3FBB] =	sst s0  }
0x18: {  	s0 =	sld [smem:$0x3F9E];
	_ =	swait.ge [sflag:s4], $0x0  }
0x19: {  	s7 =	sld [smem:$0x3F9F]  }
0x1a: {  	s8 =	sadd.s32 $0xFFFFE003, lr  }
0x1b: {  	s9 =	sadd.s32 $0xFFFFFEF7, lr;
	s5 =	simm.s32 $0xFFFFFFFF;
	p2 =	slt.u32 s8, $0xFFFFF086  }
0x1c: {  	p1 =	slt.u32 s9, $0xF7A;
	s5 =	simm.s32 @!p2 $0x0  }
0x1d: {  	s5 =	simm.s32 @p1 $0x1;
	p0 =	seq.s32 s7, s2  }
0x1e: {  	s7 =	smul.u32 @!p0 $0xF7A, s2;
	p2 =	seq.s32 @!p0 s5, $0x0  }
0x1f: {  	s9 =	smul.u32 $0xF7A, s1;
	s8 =	simm.s32 @!p0 $0x1BF5;
	p2 =	por !p2, p0  }
0x20: {  	[sflag:s8] =	ssyncset.s32 @!p0 $0xFFFFF086;
	s6 =	sadd.s32 @!p0 s3, s7;
	s7 =	simm.s32 @!p0 $0x108  }
0x21: {  	s3 =	sadd.s32 s3, s9;
	s6 =	sadd.s32 @!p0 $0x88, s6;
	s7 =	simm.s32 @p2 $0x1082  }
0x22: {  	[simem:s7], [sflag:s8] =	dma.local @!p0 [hbm:s6], $0xF7A  }
0x23: {  	s9 =	sor.u32 $0xD0000000, s2;
	s6 =	simm.s32 $0x108;
	_ =	swait.ge @!p0 [sflag:s8], $0x0  }
0x24: {  	s3 =	sadd.s32 $0x88, s3;
	s6 =	simm.s32 @!p1 $0x1082;
	[sflag:s4] =	ssyncset.s32 $0xFFFFF086  }
0x25: {  	[simem:s6], [sflag:s4] =	dma.local [hbm:s3], $0xF7A  }
0x26: {  	[smem:$0x3F9F] =	sst s1;
	(tag) =	ssettag s2;
	_ =	strace s9  }
0x27: {  	s1 =	sld [smem:$0x3FAF]  }
0x28: {  	s2 =	sld [smem:$0x3FB0]  }
0x29: {  	s4 =	sld [smem:$0x3FB2]  }
0x2a: {  	p0 =	seq.s32 s5, $0x0;
	s5 =	sld [smem:$0x3FB3]  }
0x2b: {  	s6 =	sld [smem:$0x3FB4]  }
0x2c: {  	s7 =	sld [smem:$0x3FB5]  }
0x2d: {  	s3 =	simm.s32 $0x108;
	s8 =	sld [smem:$0x3FB6]  }
0x2e: {  	s3 =	simm.s32 @!p0 $0x1082;
	s9 =	sld [smem:$0x3FB7]  }
0x2f: {  	lr =	sadd.s32 s0, s3;
	s0 =	sld [smem:$0x3FAE]  }
0x30: {  	s3 =	sld [smem:$0x3FB1]  }
0x31: {  	[smem:$0x3FBA] =	sst s10  }
0x32: {  	s10 =	sld [smem:$0x3FB8];
	_ =	sdelay $0x3  }
0x33: {  	p0 =	seq.s32 s10, $0x1;
	s10 =	sld [smem:$0x3FBA];
	_ =	sdelay $0x3  }
0x34: {  	[smem:$0x3FBA] =	sst s10  }
0x35: {  	s10 =	sld [smem:$0x3FB9];
	_ =	sdelay $0x3  }
0x36: {  	p1 =	seq.s32 s10, $0x1;
	s10 =	sld [smem:$0x3FBA];
	_ =	sdelay $0x3  }
0x37: {  	[smem:$0x3FBA] =	sst s10  }
0x38: {  	s10 =	sld [smem:$0x3FBB]  }
0x39: {  	_ = 	snop;
	(pc) =	sbr.ind lr, $3  }
0x3a: {  	_ = 	snop  }
0x3b: {  	_ = 	snop  }
0x3c: {  	p2 =	seq.s32 s10, $0x1;
	s10 =	sld [smem:$0x3FBA]  }
0x3d: {  	_ =	shalt  }
0x3e: {  	_ =	shalt  }
0x3f: {  	_ =	shalt  }
0x40: {  	_ =	shalt  }
0x41: {  	_ =	shalt  }
0x42: {  	_ =	shalt  }
0x43: {  	_ =	shalt  }
0x44: {  	_ =	shalt  }
0x45: {  	_ =	shalt  }
0x46: {  	_ =	shalt  }
0x47: {  	_ =	shalt  }
0x48: {  	_ =	shalt  }
0x49: {  	_ =	shalt  }
0x4a: {  	_ =	shalt  }
0x4b: {  	_ =	shalt  }
0x4c: {  	_ =	shalt  }
0x4d: {  	_ =	shalt  }
0x4e: {  	_ =	shalt  }
0x4f: {  	_ =	shalt  }
0x50: {  	_ =	shalt  }
0x51: {  	_ =	shalt  }
0x52: {  	_ =	shalt  }
0x53: {  	_ =	shalt  }
0x54: {  	_ =	shalt  }
0x55: {  	_ =	shalt  }
0x56: {  	_ =	shalt  }
0x57: {  	_ =	shalt  }
0x58: {  	_ =	shalt  }
0x59: {  	_ =	shalt  }
0x5a: {  	_ =	shalt  }
0x5b: {  	_ =	shalt  }
0x5c: {  	_ =	shalt  }
0x5d: {  	_ =	shalt  }
0x5e: {  	_ =	shalt  }
0x5f: {  	_ =	shalt  }
0x60: {  	_ =	shalt  }
0x61: {  	_ =	shalt  }
0x62: {  	_ =	shalt  }
0x63: {  	_ =	shalt  }
0x64: {  	_ =	shalt  }
0x65: {  	_ =	shalt  }
0x66: {  	_ =	shalt  }
0x67: {  	_ =	shalt  }
0x68: {  	_ =	shalt  }
0x69: {  	_ =	shalt  }
0x6a: {  	_ =	shalt  }
0x6b: {  	_ =	shalt  }
0x6c: {  	_ =	shalt  }
0x6d: {  	_ =	shalt  }
0x6e: {  	_ =	shalt  }
0x6f: {  	_ =	shalt  }
0x70: {  	_ =	shalt  }
0x71: {  	_ =	shalt  }
0x72: {  	_ =	shalt  }
0x73: {  	_ =	shalt  }
0x74: {  	_ =	shalt  }
0x75: {  	_ =	shalt  }
0x76: {  	_ =	shalt  }
0x77: {  	_ =	shalt  }
0x78: {  	_ =	shalt  }
0x79: {  	_ =	shalt  }
0x7a: {  	_ =	shalt  }
0x7b: {  	_ =	shalt  }
0x7c: {  	_ =	shalt  }
0x7d: {  	_ =	shalt  }
0x7e: {  	_ =	shalt  }
0x7f: {  	_ =	shalt  }
0x80: {  	_ =	shalt  }
0x81: {  	_ =	shalt  }
0x82: {  	_ =	shalt  }
0x83: {  	_ =	shalt  }
0x84: {  	_ =	shalt  }
0x85: {  	_ =	shalt  }
0x86: {  	_ =	shalt  }
0x87: {  	_ =	shalt  }
.Lfunc_end0:
.L_simem_size_0:
called_computation_lowered:
.L_overlay_start_0:
0x88: {  	s2 =	sld [smem:$0x3FD9]  }
0x89: {  	s3 =	sld [smem:$0x3FFE];
	_ =	sdelay $0x1  }
0x8a: {  	s1 =	srdreg.scid  }
0x8b: {  	s0 =	sand.u32 $0x1, s1  }
0x8c: {  	s17 =	sshll.u32 s0, $0xA;
	s2 =	sadd.s32 s3, s2  }
0x8d: {  	s2 =	sadd.s32 s2, s17  }
0x8e: {  	[smem:$0x3FC6] =	sst s2  }
0x8f: {  	_ = 	snop  }
0x90: {  	s2 =	sld [smem:$0x3FC9];
	(tm) =	ssettm $0x1  }
0x91: {  	s18 =	sld [smem:$0x3FFB];
	_ =	sdelay $0x3  }
0x92: {  	_ =	strace s18  }
0x93: {  	s3 =	sld [smem:$0x3FFC];
	_ =	sdelay $0x3  }
0x94: {  	_ =	strace s3  }
0x95: {  	s3 =	sld [smem:$0x3FFD];
	_ =	sdelay $0x3  }
0x96: {  	_ =	strace s3  }
0x97: {  	_ =	strace $0x8FFFFFFF  }
0x98: {  	s19 =	sld [smem:$0x3FDB];
	_ =	sdelay $0x1  }
0x99: {  	s4 =	simm.s32 $_scs_section_size  }
0x9a: {  	s5 =	simm.s32 $_size__tile_overlayer_lowered;
	s6 =	simm.s32 $_tile_overlayer_lowered  }
0x9b: {  	s22 =	simm.s32 $0x1BFF;
	s21 =	sshll.u32 s6, $0x1;
	s3 =	sadd.s32 s4, s19  }
0x9c: {  	s7 =	simm.s32 $0x0;
	s20 =	sshll.u32 s5, $0x1;
	s5 =	sadd.s32 s21, s3  }
0x9d: {  	[timem:s7], [sflag:s22] =	dma.local [hbm:s5], s20  }
0x9e: {  	_ =	swait.ge [sflag:s22], s20  }
0x9f: {  	s4 =	ssub.s32 $0x0, s20;
	[sflag:s22] =	ssyncset.done $0x0  }
0xa0: {  	[sflag:s22] =	ssyncadd.s32 s4;
	_ =	sdelay $0x1  }
0xa1: {  	s23 =	simm.s32 $0x1B8B  }
0xa2: {  	_ =	swait.ge [sflag:s23], $0x1  }
0xa3: {  	[sflag:s23] =	ssyncset.done $0x0  }
0xa4: {  	s25 =	simm.s32 $0x1B8E;
	s24 =	sld [smem:$0x3FFE];
	[sflag:s23] =	ssyncadd.s32 $0xFFFFFFFF  }
0xa5: {  	s26 =	simm.s32 $execute0_lowered;
	[smem:$0x3FD2] =	sst s25  }
0xa6: {  	s5 =	sshll.u32 s26, $0x1;
	_ =	strace $0x80000046;
	[dreg:$0x1] =	wrdreg $0xFFFFFFFF  }
0xa7: {  	s28 =	simm.s32 $_size_execute0_lowered;
	s3 =	sadd.s32 s3, s5;
	[dreg:$0x0] =	wrdreg $0x0  }
0xa8: {  	s5 =	sshll.u32 s28, $0x1;
	[dreg:$0x2] =	wrdreg s3  }
0xa9: {  	[dreg:$0x3] =	wrdreg s5  }
0xaa: {  	[dreg:$0x4] =	wrdreg $0xC0  }
0xab: {  	_ =	task [dreg:s7], $0x5FFFF  }
0xac: {  	[dreg:$0x1] =	wrdreg $0xFFFFFFFF  }
0xad: {  	[dreg:$0x0] =	wrdreg $0x60  }
0xae: {  	[dreg:$0x2] =	wrdreg s2  }
0xaf: {  	[dreg:$0x3] =	wrdreg s24  }
0xb0: {  	[dreg:$0x4] =	wrdreg $0x9  }
0xb1: {  	_ =	task.clear_ibuf [dreg:s7], $0x5FFFF;
	_ =	strace $0x90000046  }
0xb2: {  	s29 =	simm.s32 $0x9;
	_ =	strace $0x80000048  }
0xb3: {  	_ =	swait.ge [sflag:s29], $0x1  }
0xb4: {  	[sflag:s29] =	ssyncadd.s32 $0xFFFFFFFF  }
0xb5: {  	_ =	strace $0x90000048  }
0xb6: {  	_ =	sfence  }
0xb7: {  	s30 =	sld [smem:$0x0];
	_ =	sdelay $0x2  }
0xb8: {  	s31 =	sshll.u32 s1, $0xD;
	s1 =	sshrl.u32 s1, $0x2  }
0xb9: {  	s3 =	sand.u32 $0x4000, s31;
	s1 =	sadd.s32 s1, s30  }
0xba: {  	s0 =	sor.u32 s3, s0;
	s1 =	sshll.u32 s1, $0x11  }
0xbb: {  	s0 =	sor.u32 s1, s0  }
0xbc: {  	s0 =	sadd.s32 $0x8F2B, s0  }
0xbd: {  	[sflag:s0] =	ssyncadd.remote.s32 $0x1  }
0xbe: {  	_ =	sfence.sel $0xFFFF  }
0xbf: {  	[dreg:$0x0] =	wrdreg $0xFFFFFFFF;
	(pc) =	sbr.abs _section_cstart, $3  }
0xc0: {  	[dreg:$0x1] =	wrdreg $0xFFFFFFFF  }
0xc1: {  	_ =	task.clear_ibuf [dreg:s7], $0x2FFFF;
	_ =	strace $0x9FFFFFFF  }
0xc2: {  	(tm) =	ssettm $0x7FFFFFFF  }
0xc3: {  	_ =	shalt  }
tec
execute0_lowered:
.L_overlay_start_1:
0x0: {  	(tag) =	ssettag $0x1  }
0x1: {  	s2 =	rddreg [dreg:$0x0]  }
0x2: {  	s3 =	rddreg [dreg:$0x1]  }
0x3: {  	s0 =	rddreg [dreg:$0x2];
	s1 =	srdreg.scid;
	_ =	strace $0x80000047  }
0x4: {  	s4 =	simm.s32 $0x1;
	s9 =	simm.s32 $0x3;
	s5 =	sshll.u32 s1, $0x4  }
.Ltmp0:
0x5: {  	s1 =	stileid.u32;
	s5 =	sand.u32 $0x10, s5;
	(pc) =	sbr.rel .LBB2_1-.Ltmp0, $4  }
0x6: {  	s12 =	simm.s32 $0x0;
	s10 =	simm.s32 $0x0;
	s6 =	sor.u32 s1, s5  }
0x7: {  	[sflag:s4] =	ssyncpa.u1 $0x0;
	s5 =	simm.s32 $0x2;
	s6 =	sshll.u32 s6, $0x7  }
0x8: {  	s7 =	sadd.s32 $0x200, s3;
	[sflag:s5] =	ssyncpa.u1 $0x0;
	s8 =	sadd.s32 $0x80, s6  }
0x9: {  	vm0 =	vmmov $0xff;
	vm1 =	vcmask $0x3F20;
	[sflag:s9] =	ssyncpa.u1 $0x0;
	s9 =	simm.s32 $0x80;
	s11 =	smov.u32 s6  }
.LBB2_9:
0xa: {  	p0 =	seq.s32 s10, $0x2  }
.Ltmp1:
0xb: {  	_ = 	snop;
	(pc) =	sbr.rel @p0 .LBB2_11-.Ltmp1, $1  }
0xc: {  	_ =	sdelay $0x3  }
.LBB2_10:
0xd: {  	s12 =	sadd.s32 $0x80, s11  }
0xe: {  	s13 =	smov.u32 s6;
	p0 =	slt.s32 s12, s8  }
0xf: {  	s13 =	smov.u32 @p0 s12  }
0x10: {  	s10 =	sadd.s32 $0x1, s10;
	s12 =	smov.u32 s11;
	s11 =	smov.u32 s13  }
.LBB2_1:
0x11: {  	p0 =	sne.s32 s10, $0x0  }
.Ltmp2:
0x12: {  	_ = 	snop;
	(pc) =	sbr.rel @!p0 .LBB2_2-.Ltmp2, $1  }
0x13: {  	_ =	sdelay $0x3  }
0x14: {  	s13 =	sand.u32 $0x1, s10  }
0x15: {  	p0 =	seq.s32 s13, $0x0  }
.Ltmp3:
0x16: {  	_ = 	snop;
	(pc) =	sbr.rel @p0 .LBB2_9-.Ltmp3, $1  }
0x17: {  	_ =	sdelay $0x3  }
0x18: {  	_ =	swait.ge [sflag:s5], $0x80  }
0x19: {  	[sflag:s5] =	ssyncset.done $0x0  }
0x1a: {  	s13 =	simm.s32 $0x0;
	[sflag:s5] =	ssyncadd.s32 $0xFFFFFF80  }
0x1b: {  	v0 =	vld.msk [tilespmem:s13+$0x80 ss:$0x1], $0xffff;
	_ =	sdelay $0x4  }
0x1c: {  	vm2 =	vgt.s32 v0, $0x0  }
0x1d: {  	v0 =	vnsel vm2, $0x0, v0  }
0x1e: {  	v0 =	vmin.u32 v0, $0xFFF  }
0x1f: {  	v0 =	vshll.u32 v0, $0x4;
	_ =	sdelay $0x3  }
0x20: {  	s13 =	simm.s32 $0x4100  }
0x21: {  	[tilespmem:s13], [sflag:$0x1] =	stream.indirect_vreg.gather [hbm:s2], $0x80, v0, vm0, $0x38;
	[tilespmem:$0x8100] =	vst v63  }
0x22: {  	s14 =	simm.s32 $0x4500;
	s31 =	simm.s32 $0x10  }
0x23: {  	[tilespmem:s14], [sflag:$0x1] =	stream.indirect_vreg.gather [hbm:s2], $0x80, v0, vm1, $0x38;
	[tilespmem:$0x8100] =	vst v63  }
0x24: {  	s14 =	simm.s32 $0x80;
	v0 =	vld.msk [tilespmem:s31+$0x80 ss:$0x1], $0xffff  }
.LBB2_5:
0x25: {  	p0 =	sne.s32 s14, $0x1C0;
	_ =	sdelay $0x4  }
0x26: {  	vm2 =	vgt.s32 v0, $0x0  }
0x27: {  	v0 =	vnsel vm2, $0x0, v0  }
0x28: {  	v0 =	vmin.u32 v0, $0xFFF  }
0x29: {  	v0 =	vshll.u32 v0, $0x4;
	_ =	sdelay $0x3  }
.Ltmp4:
0x2a: {  	s13 =	sadd.s32 $0x800, s13;
	(pc) =	sbr.rel @p0 .LBB2_5-.Ltmp4, $4  }
0x2b: {  	[tilespmem:s13], [sflag:$0x1] =	stream.indirect_vreg.gather [hbm:s2], $0x80, v0, vm0, $0x38;
	[tilespmem:$0x8100] =	vst v63  }
0x2c: {  	s15 =	sshra.s32 s14, $0x2;
	s16 =	sadd.s32 $0x400, s13  }
0x2d: {  	[tilespmem:s16], [sflag:$0x1] =	stream.indirect_vreg.gather [hbm:s2], $0x80, v0, vm1, $0x38;
	[tilespmem:$0x8100] =	vst v63  }
0x2e: {  	s14 =	sadd.s32 $0x40, s14;
	v0 =	vld.msk [tilespmem:s15+$0x80 ss:$0x1], $0xffff  }
0x2f: {  	_ =	sdelay $0x3  }
0x30: {  	vm2 =	vgt.s32 v0, $0x0  }
0x31: {  	v0 =	vnsel vm2, $0x0, v0  }
0x32: {  	v0 =	vmin.u32 v0, $0xFFF  }
0x33: {  	v0 =	vshll.u32 v0, $0x4;
	_ =	sdelay $0x3  }
0x34: {  	s13 =	sadd.s32 $0x800, s13  }
0x35: {  	[tilespmem:s13], [sflag:$0x1] =	stream.indirect_vreg.gather [hbm:s2], $0x80, v0, vm0, $0x38;
	[tilespmem:$0x8100] =	vst v63  }
0x36: {  	s13 =	sadd.s32 $0x400, s13  }
0x37: {  	[tilespmem:s13], [sflag:$0x1] =	stream.indirect_vreg.gather [hbm:s2], $0x80, v0, vm1, $0x38;
	[tilespmem:$0x8100] =	vst v63  }
0x38: {  	s12 =	sshll.u32 s12, $0x4;
	s14 =	simm.s32 $0x80;
	_ =	swait.ge [sflag:s4], $0x4000  }
0x39: {  	s15 =	simm.s32 $0x4500;
	s12 =	sadd.s32 s12, s7;
	[sflag:s4] =	ssyncset.done $0x0  }
0x3a: {  	s16 =	sadd.s32 $0x0, s12;
	s13 =	simm.s32 $0x4100;
	[sflag:s4] =	ssyncadd.s32 $0xFFFFC000  }
.LBB2_7:
0x3b: {  	[hbm:s16] =	stream.linear.scatter [tilespmem:s13], [sflag:$0x3], $0x400, $0x38;
	[tilespmem:$0x8100] =	vst v63  }
0x3c: {  	s16 =	smov.u32 s14;
	s13 =	smov.u32 s15;
	p0 =	sne.s32 s14, $0x780  }
.Ltmp5:
0x3d: {  	s14 =	sadd.s32 $0x80, s14;
	(pc) =	sbr.rel @p0 .LBB2_7-.Ltmp5, $2  }
0x3e: {  	_ =	sdelay $0x2  }
0x3f: {  	s15 =	sadd.s32 $0x400, s15;
	s16 =	sadd.s32 s16, s12  }
.Ltmp6:
0x40: {  	(pc) =	sbr.rel .LBB2_9-.Ltmp6, $2  }
0x41: {  	_ =	sdelay $0x2  }
0x42: {  	[hbm:s16] =	stream.linear.scatter [tilespmem:s13], [sflag:$0x3], $0x400, $0x38;
	[tilespmem:$0x8100] =	vst v63  }
.LBB2_2:
.Ltmp7:
0x43: {  	(pc) =	sbr.rel .LBB2_10-.Ltmp7, $4  }
0x44: {  	_ = 	snop  }
0x45: {  	s12 =	sshrl.u32 s11, $0x3  }
0x46: {  	s13 =	sand.u32 $0x7, s11;
	s12 =	sadd.s32 s3, s12  }
0x47: {  	[tilespmem:s9], [sflag:$0x2] =	stream.linear.gather [hbm4b:s12+s13], $0x80, $0x38;
	[tilespmem:$0x8100] =	vst v63  }
.LBB2_11:
0x48: {  	s2 =	simm.s32 $0x3  }
0x49: {  	_ =	swait.ge [sflag:s2], $0x4000  }
0x4a: {  	[sflag:s2] =	ssyncset.done $0x0  }
0x4b: {  	[sflag:s2] =	ssyncadd.s32 $0xFFFFC000  }
0x4c: {  	_ =	sfence.sel $0x180000  }
0x4d: {  	s3 =	simm.s32 $0x2;
	[bflag:$0x0] =	sbarrier.arrive $0xFFFF  }
0x4e: {  	[sflag:s3] =	ssyncpa.u1 $0x1  }
0x4f: {  	s31 =	simm.s32 $0x1;
	[sflag:s2] =	ssyncpa.u1 $0x1  }
0x50: {  	[sflag:s31] =	ssyncpa.u1 $0x1  }
0x51: {  	p0 =	sne.s32 s1, $0x0;
	_ =	strace $0x90000047  }
0x52: {  	s0 =	sadd.s32 @!p0 $0x100000, s0;
	[bflag:$0x2] =	sbarrier.arrive $0xFFFF  }
0x53: {  	[sflag:s0] =	ssyncadd.tile.s32 @!p0 $0x1;
	_ =	shalt  }
.Lfunc_end2:
_tile_overlayer_lowered:
.L_overlay_start_2:
0x54: {  	(tag) =	ssettag $0x2  }
0x55: {  	s0 =	rddreg [dreg:$0x0];
	s2 =	stileid.u32  }
0x56: {  	s1 =	rddreg [dreg:$0x1];
	p0 =	sne.s32 s2, $0x0  }
0x57: {  	s3 =	rddreg [dreg:$0x2];
	[bflag:$0x3] =	sbarrier.arrive $0xFFFF;
	s2 =	simm.s32 @!p0 $0x1C01  }
0x58: {  	[timem:s3], [sflag:s2] =	dma.local @!p0 [hbm:s0], s1  }
0x59: {  	s0 =	simm.s32 @!p0 $0x1  }
0x5a: {  	_ =	swait.ge @!p0 [sflag:s0], s1  }
0x5b: {  	s1 =	ssub.s32 @!p0 $0x0, s1;
	[sflag:s0] =	ssyncset.done @!p0 $0x0  }
0x5c: {  	[sflag:s0] =	ssyncadd.s32 @!p0 s1  }
0x5d: {  	[bflag:$0x3] =	sbarrier.arrive $0xFFFF  }
0x5e: {  	_ =	shalt  }

</sc_bundles>
